<compile_context>
chip_gen: v7x
topology: tpu7x:2x2x1
jax: 0.10.2.dev20260603
libtpu: 0.0.44.dev20260713+nightly
codegen_flags: <defaults>
</compile_context>

<pallas_src>
import functools

import jax
import jax.numpy as jnp
from jax import lax
from jax.experimental import pallas as pl
from jax.experimental.pallas import tpu as pltpu
from jax.experimental.pallas import tpu_sc as plsc

MASK_RATIO = 0.4
MASK_VALUE = 0.0

_SC_LANES = 16


def _mask_kernel(noise_ref, mask_ref, mult_ref, *, num_remove):
    n = noise_ref[0]
    S = n.shape[-1]
    k2 = pltpu.bitcast(n, jnp.int32) * 2
    j_idx = lax.broadcasted_iota(jnp.int32, (1, S, S), 1)
    i_idx = lax.broadcasted_iota(jnp.int32, (1, S, S), 2)
    tri = (j_idx > i_idx).astype(jnp.int32)
    bj = k2[:, :, None] + tri
    greater = bj > k2[:, None, :]
    cnt = jnp.count_nonzero(greater, axis=1).astype(jnp.int32)
    remove = cnt < num_remove
    mask_ref[0] = remove.astype(jnp.float32)
    mult_ref[0] = jnp.where(remove, jnp.float32(MASK_VALUE), jnp.float32(1.0))


def _compute_mask(noise, num_remove):
    batch, channels, seq = noise.shape
    return pl.pallas_call(
        functools.partial(_mask_kernel, num_remove=num_remove),
        grid=(batch,),
        in_specs=[pl.BlockSpec((1, channels, seq), lambda b: (b, 0, 0))],
        out_specs=[
            pl.BlockSpec((1, channels, seq), lambda b: (b, 0, 0)),
            pl.BlockSpec((1, channels, seq), lambda b: (b, 0, 0)),
        ],
        out_shape=[
            jax.ShapeDtypeStruct((batch, channels, seq), jnp.float32),
            jax.ShapeDtypeStruct((batch, channels, seq), jnp.float32),
        ],
    )(noise)


def _sc_fill(patch_flat, mult):
    batch, channels, sf = patch_flat.shape
    seq = mult.shape[-1]
    feat = sf // seq
    mesh = plsc.VectorSubcoreMesh(core_axis_name="core",
                                  subcore_axis_name="subcore")

    @pl.kernel(
        out_type=jax.ShapeDtypeStruct((batch, channels, sf), jnp.float32),
        mesh=mesh,
    )
    def fill_kernel(mult_hbm, patch_hbm, out_hbm):
        def body(m_vmem, x_vmem, o_vmem):
            @plsc.parallel_loop(0, seq, unroll=4)
            def _row(s):
                m = m_vmem[0, 0, pl.ds(s, 1)][0]
                base = s * feat
                for f in range(0, feat, _SC_LANES):
                    sl = (0, 0, pl.ds(base + f, _SC_LANES))
                    o_vmem[sl] = x_vmem[sl] * m

        pltpu.emit_pipeline(
            body,
            grid=(batch, channels),
            in_specs=[
                pl.BlockSpec((1, 1, seq), lambda b, c: (b, c, 0)),
                pl.BlockSpec((1, 1, sf), lambda b, c: (b, c, 0)),
            ],
            out_specs=[pl.BlockSpec((1, 1, sf), lambda b, c: (b, c, 0))],
            core_axis_name=("core", "subcore"),
            dimension_semantics=(pltpu.PARALLEL, pltpu.PARALLEL),
        )(mult_hbm, patch_hbm, out_hbm)

    return fill_kernel(mult, patch_flat)


def kernel(patch_input, noise):
    batch, channels, seq, feat = patch_input.shape
    len_keep = int(seq * (1 - MASK_RATIO))
    num_remove = seq - len_keep

    mask, mult = _compute_mask(noise, num_remove)
    out = _sc_fill(patch_input.reshape(batch, channels, seq * feat), mult)
    return out.reshape(batch, channels, seq, feat), mask.astype(bool)

# --- scband reference (transcript-rebuilt; emitter-appended) ---
"""Pipeline reference for scband-patch-tstmasking-13451837571546 (READ-ONLY COPY).

The authoritative reference and input builder live on the scoring server;
editing this copy changes nothing except your own understanding.
"""

import jax, jax.numpy as jnp
import numpy as np

MASK_RATIO = 0.4
MASK_VALUE = 0.0


def _random_masking(inputs, noise, mask_ratio=MASK_RATIO):
    batch_size, num_channels, sequence_length, num_features = inputs.shape
    len_keep = int(sequence_length * (1 - mask_ratio))
    # mask: 0 is keep, 1 is remove
    mask = jnp.ones((batch_size, num_channels, sequence_length), dtype=inputs.dtype)
    mask = mask.at[:, :, :len_keep].set(0)
    ids_shuffle = jnp.argsort(noise, axis=-1)  # ascend: small keeps, large removes
    ids_restore = jnp.argsort(ids_shuffle, axis=-1)
    mask = jnp.take_along_axis(mask, ids_restore, axis=-1)
    mask_full = jnp.repeat(mask[..., None], num_features, axis=-1)
    inputs_mask = jnp.where(mask_full.astype(bool), jnp.asarray(MASK_VALUE, inputs.dtype), inputs)
    return inputs_mask, mask


def setup_inputs(seed: int = 0) -> dict:
    key = jax.random.key(seed)
    k1, k2 = jax.random.split(key)
    patch_input = jax.random.normal(k1, (256, 32, 128, 64), dtype=jnp.float32)
    # torch.rand noise generated inside the module; materialized here for determinism
    noise = jax.random.uniform(k2, (256, 32, 128), dtype=jnp.float32)
    return {"patch_input": patch_input, "noise": noise}


def reference(patch_input, noise):
    masked_input, mask = _random_masking(patch_input, noise)
    return masked_input, mask.astype(bool)

if __name__ == "__main__":
    import jax
    _d = setup_inputs()
    print(jax.jit(kernel)(*tuple(_d.values())))

</pallas_src>

<mosaic_0001>
#map = affine_map<(d0, d1) -> (0, 0, 0)>
module attributes {stable_mosaic.version = 14 : i64} {
  func.func @fill_kernel(%arg0: i32, %arg1: i32, %arg2: memref<256x32x128xf32, #tpu.memory_space<hbm>>, %arg3: memref<256x32x8192xf32, #tpu.memory_space<hbm>>, %arg4: memref<256x32x8192xf32, #tpu.memory_space<hbm>>) attributes {dimension_semantics = [#tpu.dimension_semantics<core_parallel>, #tpu.dimension_semantics<subcore_parallel>], iteration_bounds = array<i64: 2, 16>, scalar_prefetch = 0 : i64, scratch_operands = 0 : i64, tpu.core_type = #tpu.core_type<sc_vector_subcore>, window_params = [{transform_indices = #map}, {transform_indices = #map}, {transform_indices = #map}]} {
    %mul3A = arith.constant 1 : i32
    %mul3A_0 = arith.muli %arg1, %mul3A : i32
    %add3A = arith.constant 0 : i32
    %add3A_1 = arith.addi %add3A, %mul3A_0 : i32
    %mul3A_2 = arith.constant 16 : i32
    %mul3A_3 = arith.muli %arg0, %mul3A_2 : i32
    %add3A_4 = arith.addi %add3A_1, %mul3A_3 : i32
    %mul3A_5 = arith.constant 8 : i32
    %mul3A_6 = arith.muli %add3A_4, %mul3A_5 : i32
    "tpu.region"() ({
      %run_scoped3A = memref.alloca() : memref<2x1x1x128xf32, #tpu.memory_space<vmem>>
      %run_scoped3A_7 = tpu.sem_alloc : memref<2x!tpu.dma_semaphore, #tpu.memory_space<semaphore_mem>>
      %run_scoped3A_8 = memref.alloca() : memref<2x1x1x8192xf32, #tpu.memory_space<vmem>>
      %run_scoped3A_9 = tpu.sem_alloc : memref<2x!tpu.dma_semaphore, #tpu.memory_space<semaphore_mem>>
      %run_scoped3A_10 = memref.alloca() : memref<2x1x1x8192xf32, #tpu.memory_space<vmem>>
      %run_scoped3A_11 = tpu.sem_alloc : memref<2x!tpu.dma_semaphore, #tpu.memory_space<semaphore_mem>>
      %add3A_12 = arith.constant 0 : i32
      %add3A_13 = arith.addi %add3A_12, %mul3A_6 : i32
      %select_n3A = arith.constant true
      %select_n3A_14 = arith.constant 0 : i32
      %select_n3A_15 = arith.constant -1 : i32
      %select_n3A_16 = arith.select %select_n3A, %select_n3A_15, %select_n3A_14 : i32
      %eq3A = arith.constant -1 : i32
      %eq3A_17 = arith.cmpi eq, %select_n3A_16, %eq3A : i32
      %select_n3A_18 = arith.constant 31 : i32
      %select_n3A_19 = arith.select %eq3A_17, %select_n3A_18, %select_n3A_16 : i32
      %select_n3A_20 = arith.constant 0 : i32
      %select_n3A_21 = arith.constant -1 : i32
      %select_n3A_22 = arith.select %eq3A_17, %select_n3A_21, %select_n3A_20 : i32
      %eq3A_23 = arith.constant -1 : i32
      %eq3A_24 = arith.cmpi eq, %select_n3A_22, %eq3A_23 : i32
      %select_n3A_25 = arith.constant 7 : i32
      %select_n3A_26 = arith.select %eq3A_24, %select_n3A_25, %select_n3A_22 : i32
      %add3A_27 = arith.addi %select_n3A_26, %mul3A_6 : i32
      %add3A_28 = arith.constant 0 : i32
      %add3A_29 = arith.addi %select_n3A_19, %add3A_28 : i32
      %select_n3A_30 = arith.constant true
      %select_n3A_31 = arith.constant 0 : i32
      %select_n3A_32 = arith.constant 1 : i32
      %select_n3A_33 = arith.select %select_n3A_30, %select_n3A_32, %select_n3A_31 : i32
      %eq3A_34 = arith.constant 32 : i32
      %eq3A_35 = arith.cmpi eq, %select_n3A_33, %eq3A_34 : i32
      %select_n3A_36 = arith.constant 0 : i32
      %select_n3A_37 = arith.select %eq3A_35, %select_n3A_36, %select_n3A_33 : i32
      %select_n3A_38 = arith.constant 0 : i32
      %select_n3A_39 = arith.constant 1 : i32
      %select_n3A_40 = arith.select %eq3A_35, %select_n3A_39, %select_n3A_38 : i32
      %eq3A_41 = arith.constant 8 : i32
      %eq3A_42 = arith.cmpi eq, %select_n3A_40, %eq3A_41 : i32
      %select_n3A_43 = arith.constant 0 : i32
      %select_n3A_44 = arith.select %eq3A_42, %select_n3A_43, %select_n3A_40 : i32
      %add3A_45 = arith.addi %select_n3A_44, %mul3A_6 : i32
      %add3A_46 = arith.constant 0 : i32
      %add3A_47 = arith.addi %select_n3A_37, %add3A_46 : i32
      %add3A_48 = arith.constant 1 : i32
      %add3A_49 = arith.addi %select_n3A_37, %add3A_48 : i32
      %select_n3A_50 = arith.constant true
      %select_n3A_51 = arith.select %select_n3A_50, %add3A_49, %select_n3A_37 : i32
      %eq3A_52 = arith.constant 32 : i32
      %eq3A_53 = arith.cmpi eq, %select_n3A_51, %eq3A_52 : i32
      %select_n3A_54 = arith.constant 0 : i32
      %select_n3A_55 = arith.select %eq3A_53, %select_n3A_54, %select_n3A_51 : i32
      %add3A_56 = arith.constant 1 : i32
      %add3A_57 = arith.addi %select_n3A_44, %add3A_56 : i32
      %select_n3A_58 = arith.select %eq3A_53, %add3A_57, %select_n3A_44 : i32
      %eq3A_59 = arith.constant 8 : i32
      %eq3A_60 = arith.cmpi eq, %select_n3A_58, %eq3A_59 : i32
      %select_n3A_61 = arith.constant 0 : i32
      %select_n3A_62 = arith.select %eq3A_60, %select_n3A_61, %select_n3A_58 : i32
      %add3A_63 = arith.addi %select_n3A_62, %mul3A_6 : i32
      %add3A_64 = arith.constant 0 : i32
      %add3A_65 = arith.addi %select_n3A_55, %add3A_64 : i32
      "tpu.trace_start"() <{level = 10 : i32, message = "ep_initialize_0"}> : () -> ()
      %rem3A = arith.constant 0 : i32
      %rem3A_66 = arith.constant 2 : i32
      %rem3A_67 = arith.remui %rem3A, %rem3A_66 : i32
      %mul3A_68 = arith.constant 1 : i32
      %mul3A_69 = arith.muli %mul3A_68, %add3A_13 : i32
      %dma_start3A = arith.constant 0 : i32
      %dma_start3A_70 = arith.constant 0 : i32
      %dma_start3A_71 = arith.constant 0 : i32
      %dma_start3A_72 = tpu.memref_slice %run_scoped3A[%rem3A_67, %dma_start3A, %dma_start3A_70, %dma_start3A_71] : memref<2x1x1x128xf32, #tpu.memory_space<vmem>> -> memref<1x1x1x128xf32, #tpu.memory_space<vmem>>
      %dma_start3A_73 = tpu.memref_squeeze %dma_start3A_72 : memref<1x1x1x128xf32, #tpu.memory_space<vmem>> -> memref<1x1x128xf32, #tpu.memory_space<vmem>>
      %dma_start3A_74 = arith.constant 0 : i32
      %dma_start3A_75 = arith.constant 0 : i32
      %dma_start3A_76 = tpu.memref_slice %arg2[%mul3A_69, %dma_start3A_74, %dma_start3A_75] : memref<256x32x128xf32, #tpu.memory_space<hbm>> -> memref<1x1x128xf32, #tpu.memory_space<hbm>>
      %dma_start3A_77 = tpu.memref_slice %run_scoped3A_7[%rem3A_67] : memref<2x!tpu.dma_semaphore, #tpu.memory_space<semaphore_mem>> -> memref<1x!tpu.dma_semaphore, #tpu.memory_space<semaphore_mem>>
      %dma_start3A_78 = tpu.memref_squeeze %dma_start3A_77 : memref<1x!tpu.dma_semaphore, #tpu.memory_space<semaphore_mem>> -> memref<!tpu.dma_semaphore, #tpu.memory_space<semaphore_mem>>
      %dma_start3A_79 = arith.constant 0 : i32
      %dma_start3A_80 = arith.constant 0 : i32
      %dma_start3A_81 = arith.constant 0 : i32
      %dma_start3A_82 = tpu.memref_slice %run_scoped3A[%rem3A_67, %dma_start3A_79, %dma_start3A_80, %dma_start3A_81] : memref<2x1x1x128xf32, #tpu.memory_space<vmem>> -> memref<1x1x1x128xf32, #tpu.memory_space<vmem>>
      %dma_start3A_83 = tpu.memref_squeeze %dma_start3A_82 : memref<1x1x1x128xf32, #tpu.memory_space<vmem>> -> memref<1x1x128xf32, #tpu.memory_space<vmem>>
      %dma_start3A_84 = arith.constant 0 : i32
      %dma_start3A_85 = arith.constant 0 : i32
      %dma_start3A_86 = tpu.memref_slice %arg2[%mul3A_69, %dma_start3A_84, %dma_start3A_85] : memref<256x32x128xf32, #tpu.memory_space<hbm>> -> memref<1x1x128xf32, #tpu.memory_space<hbm>>
      tpu.enqueue_dma source(%dma_start3A_86 : memref<1x1x128xf32, #tpu.memory_space<hbm>>) target(%dma_start3A_83 : memref<1x1x128xf32, #tpu.memory_space<vmem>>) target_semaphore(%dma_start3A_78 : memref<!tpu.dma_semaphore, #tpu.memory_space<semaphore_mem>>)
      %add3A_87 = arith.constant 0 : i32
      %add3A_88 = arith.constant 1 : i32
      %add3A_89 = arith.addi %add3A_87, %add3A_88 : i32
      %select_n3A_90 = arith.constant true
      %select_n3A_91 = arith.constant 0 : i32
      %select_n3A_92 = arith.select %select_n3A_90, %add3A_89, %select_n3A_91 : i32
      %rem3A_93 = arith.constant 0 : i32
      %rem3A_94 = arith.constant 2 : i32
      %rem3A_95 = arith.remui %rem3A_93, %rem3A_94 : i32
      %mul3A_96 = arith.constant 1 : i32
      %mul3A_97 = arith.muli %mul3A_96, %add3A_13 : i32
      %dma_start3A_98 = arith.constant 0 : i32
      %dma_start3A_99 = arith.constant 0 : i32
      %dma_start3A_100 = arith.constant 0 : i32
      %dma_start3A_101 = tpu.memref_slice %run_scoped3A_8[%rem3A_95, %dma_start3A_98, %dma_start3A_99, %dma_start3A_100] : memref<2x1x1x8192xf32, #tpu.memory_space<vmem>> -> memref<1x1x1x8192xf32, #tpu.memory_space<vmem>>
      %dma_start3A_102 = tpu.memref_squeeze %dma_start3A_101 : memref<1x1x1x8192xf32, #tpu.memory_space<vmem>> -> memref<1x1x8192xf32, #tpu.memory_space<vmem>>
      %dma_start3A_103 = arith.constant 0 : i32
      %dma_start3A_104 = arith.constant 0 : i32
      %dma_start3A_105 = tpu.memref_slice %arg3[%mul3A_97, %dma_start3A_103, %dma_start3A_104] : memref<256x32x8192xf32, #tpu.memory_space<hbm>> -> memref<1x1x8192xf32, #tpu.memory_space<hbm>>
      %dma_start3A_106 = tpu.memref_slice %run_scoped3A_9[%rem3A_95] : memref<2x!tpu.dma_semaphore, #tpu.memory_space<semaphore_mem>> -> memref<1x!tpu.dma_semaphore, #tpu.memory_space<semaphore_mem>>
      %dma_start3A_107 = tpu.memref_squeeze %dma_start3A_106 : memref<1x!tpu.dma_semaphore, #tpu.memory_space<semaphore_mem>> -> memref<!tpu.dma_semaphore, #tpu.memory_space<semaphore_mem>>
      %dma_start3A_108 = arith.constant 0 : i32
      %dma_start3A_109 = arith.constant 0 : i32
      %dma_start3A_110 = arith.constant 0 : i32
      %dma_start3A_111 = tpu.memref_slice %run_scoped3A_8[%rem3A_95, %dma_start3A_108, %dma_start3A_109, %dma_start3A_110] : memref<2x1x1x8192xf32, #tpu.memory_space<vmem>> -> memref<1x1x1x8192xf32, #tpu.memory_space<vmem>>
      %dma_start3A_112 = tpu.memref_squeeze %dma_start3A_111 : memref<1x1x1x8192xf32, #tpu.memory_space<vmem>> -> memref<1x1x8192xf32, #tpu.memory_space<vmem>>
      %dma_start3A_113 = arith.constant 0 : i32
      %dma_start3A_114 = arith.constant 0 : i32
      %dma_start3A_115 = tpu.memref_slice %arg3[%mul3A_97, %dma_start3A_113, %dma_start3A_114] : memref<256x32x8192xf32, #tpu.memory_space<hbm>> -> memref<1x1x8192xf32, #tpu.memory_space<hbm>>
      tpu.enqueue_dma source(%dma_start3A_115 : memref<1x1x8192xf32, #tpu.memory_space<hbm>>) target(%dma_start3A_112 : memref<1x1x8192xf32, #tpu.memory_space<vmem>>) target_semaphore(%dma_start3A_107 : memref<!tpu.dma_semaphore, #tpu.memory_space<semaphore_mem>>)
      %add3A_116 = arith.constant 0 : i32
      %add3A_117 = arith.constant 1 : i32
      %add3A_118 = arith.addi %add3A_116, %add3A_117 : i32
      %select_n3A_119 = arith.constant true
      %select_n3A_120 = arith.constant 0 : i32
      %select_n3A_121 = arith.select %select_n3A_119, %add3A_118, %select_n3A_120 : i32
      "tpu.trace_stop"() : () -> ()
      %scan3A = arith.constant 0 : i32
      %scan3A_122 = arith.constant 0 : i32
      %scan3A_123 = arith.constant 0 : i32
      %scan3A_124 = arith.constant 0 : i32
      %scan3A_125 = arith.constant 0 : i32
      %scan3A_126 = arith.constant 0 : i32
      %scan3A_127 = arith.constant 0 : i32
      %scan3A_128 = arith.constant 256 : i32
      %scan3A_129 = arith.addi %scan3A_127, %scan3A_128 : i32
      %scan3A_130 = arith.constant 1 : i32
      %scan3A_131:8 = scf.for %scan3A_225 = %scan3A_127 to %scan3A_129 step %scan3A_130 iter_args(%scan3A_226 = %select_n3A_92, %scan3A_227 = %scan3A, %scan3A_228 = %select_n3A_121, %scan3A_229 = %scan3A_122, %scan3A_230 = %scan3A_123, %scan3A_231 = %scan3A_124, %scan3A_232 = %scan3A_125, %scan3A_233 = %scan3A_126) -> (i32, i32, i32, i32, i32, i32, i32, i32)  : i32 {
        %eq3A_234 = arith.constant 0 : i32
        %eq3A_235 = arith.cmpi eq, %scan3A_225, %eq3A_234 : i32
        %eq3A_236 = arith.constant 255 : i32
        %eq3A_237 = arith.cmpi eq, %scan3A_225, %eq3A_236 : i32
        %add3A_238 = arith.addi %scan3A_232, %mul3A_6 : i32
        %add3A_239 = arith.constant 0 : i32
        %add3A_240 = arith.addi %scan3A_233, %add3A_239 : i32
        %sub3A_241 = arith.constant 1 : i32
        %sub3A_242 = arith.subi %scan3A_233, %sub3A_241 : i32
        %select_n3A_243 = arith.constant true
        %select_n3A_244 = arith.select %select_n3A_243, %sub3A_242, %scan3A_233 : i32
        %eq3A_245 = arith.constant -1 : i32
        %eq3A_246 = arith.cmpi eq, %select_n3A_244, %eq3A_245 : i32
        %select_n3A_247 = arith.constant 31 : i32
        %select_n3A_248 = arith.select %eq3A_246, %select_n3A_247, %select_n3A_244 : i32
        %sub3A_249 = arith.constant 1 : i32
        %sub3A_250 = arith.subi %scan3A_232, %sub3A_249 : i32
        %select_n3A_251 = arith.select %eq3A_246, %sub3A_250, %scan3A_232 : i32
        %eq3A_252 = arith.constant -1 : i32
        %eq3A_253 = arith.cmpi eq, %select_n3A_251, %eq3A_252 : i32
        %select_n3A_254 = arith.constant 7 : i32
        %select_n3A_255 = arith.select %eq3A_253, %select_n3A_254, %select_n3A_251 : i32
        %add3A_256 = arith.addi %select_n3A_255, %mul3A_6 : i32
        %add3A_257 = arith.constant 0 : i32
        %add3A_258 = arith.addi %select_n3A_248, %add3A_257 : i32
        %add3A_259 = arith.constant 1 : i32
        %add3A_260 = arith.addi %scan3A_233, %add3A_259 : i32
        %select_n3A_261 = arith.constant true
        %select_n3A_262 = arith.select %select_n3A_261, %add3A_260, %scan3A_233 : i32
        %eq3A_263 = arith.constant 32 : i32
        %eq3A_264 = arith.cmpi eq, %select_n3A_262, %eq3A_263 : i32
        %select_n3A_265 = arith.constant 0 : i32
        %select_n3A_266 = arith.select %eq3A_264, %select_n3A_265, %select_n3A_262 : i32
        %add3A_267 = arith.constant 1 : i32
        %add3A_268 = arith.addi %scan3A_232, %add3A_267 : i32
        %select_n3A_269 = arith.select %eq3A_264, %add3A_268, %scan3A_232 : i32
        %eq3A_270 = arith.constant 8 : i32
        %eq3A_271 = arith.cmpi eq, %select_n3A_269, %eq3A_270 : i32
        %select_n3A_272 = arith.constant 0 : i32
        %select_n3A_273 = arith.select %eq3A_271, %select_n3A_272, %select_n3A_269 : i32
        %add3A_274 = arith.addi %select_n3A_273, %mul3A_6 : i32
        %add3A_275 = arith.constant 0 : i32
        %add3A_276 = arith.addi %select_n3A_266, %add3A_275 : i32
        %add3A_277 = arith.constant 1 : i32
        %add3A_278 = arith.addi %select_n3A_266, %add3A_277 : i32
        %select_n3A_279 = arith.constant true
        %select_n3A_280 = arith.select %select_n3A_279, %add3A_278, %select_n3A_266 : i32
        %eq3A_281 = arith.constant 32 : i32
        %eq3A_282 = arith.cmpi eq, %select_n3A_280, %eq3A_281 : i32
        %select_n3A_283 = arith.constant 0 : i32
        %select_n3A_284 = arith.select %eq3A_282, %select_n3A_283, %select_n3A_280 : i32
        %add3A_285 = arith.constant 1 : i32
        %add3A_286 = arith.addi %select_n3A_273, %add3A_285 : i32
        %select_n3A_287 = arith.select %eq3A_282, %add3A_286, %select_n3A_273 : i32
        %eq3A_288 = arith.constant 8 : i32
        %eq3A_289 = arith.cmpi eq, %select_n3A_287, %eq3A_288 : i32
        %select_n3A_290 = arith.constant 0 : i32
        %select_n3A_291 = arith.select %eq3A_289, %select_n3A_290, %select_n3A_287 : i32
        %add3A_292 = arith.addi %select_n3A_291, %mul3A_6 : i32
        %add3A_293 = arith.constant 0 : i32
        %add3A_294 = arith.addi %select_n3A_284, %add3A_293 : i32
        %ne3A = arith.cmpi ne, %add3A_238, %add3A_274 : i32
        %ne3A_295 = arith.cmpi ne, %add3A_240, %add3A_276 : i32
        %or3A = arith.constant false
        %or3A_296 = arith.ori %or3A, %ne3A : i1
        %or3A_297 = arith.ori %or3A_296, %ne3A_295 : i1
        %or3A_298 = arith.constant false
        %or3A_299 = arith.ori %or3A_297, %or3A_298 : i1
        %ge3A = arith.constant 255 : i32
        %ge3A_300 = arith.cmpi sge, %scan3A_225, %ge3A : i32
        %not3A = arith.constant true
        %not3A_301 = arith.xori %ge3A_300, %not3A : i1
        %and3A = arith.andi %or3A_299, %not3A_301 : i1
        %convert_element_type3A = arith.extui %and3A : i1 to i32
        %cond3A = arith.constant 0 : i32
        %cond3A_302 = arith.cmpi ne, %convert_element_type3A, %cond3A : i32
        scf.if %cond3A_302 {
          "tpu.trace_start"() <{level = 10 : i32, message = "ep_copy_in"}> : () -> ()
          %rem3A_508 = arith.constant 2 : i32
          %rem3A_509 = arith.remui %scan3A_226, %rem3A_508 : i32
          %mul3A_510 = arith.constant 1 : i32
          %mul3A_511 = arith.muli %mul3A_510, %add3A_274 : i32
          %mul3A_512 = arith.constant 1 : i32
          %mul3A_513 = arith.muli %mul3A_512, %add3A_276 : i32
          %dma_start3A_514 = arith.constant 0 : i32
          %dma_start3A_515 = arith.constant 0 : i32
          %dma_start3A_516 = arith.constant 0 : i32
          %dma_start3A_517 = tpu.memref_slice %run_scoped3A[%rem3A_509, %dma_start3A_514, %dma_start3A_515, %dma_start3A_516] : memref<2x1x1x128xf32, #tpu.memory_space<vmem>> -> memref<1x1x1x128xf32, #tpu.memory_space<vmem>>
          %dma_start3A_518 = tpu.memref_squeeze %dma_start3A_517 : memref<1x1x1x128xf32, #tpu.memory_space<vmem>> -> memref<1x1x128xf32, #tpu.memory_space<vmem>>
          %dma_start3A_519 = arith.constant 0 : i32
          %dma_start3A_520 = tpu.memref_slice %arg2[%mul3A_511, %mul3A_513, %dma_start3A_519] : memref<256x32x128xf32, #tpu.memory_space<hbm>> -> memref<1x1x128xf32, #tpu.memory_space<hbm>>
          %dma_start3A_521 = tpu.memref_slice %run_scoped3A_7[%rem3A_509] : memref<2x!tpu.dma_semaphore, #tpu.memory_space<semaphore_mem>> -> memref<1x!tpu.dma_semaphore, #tpu.memory_space<semaphore_mem>>
          %dma_start3A_522 = tpu.memref_squeeze %dma_start3A_521 : memref<1x!tpu.dma_semaphore, #tpu.memory_space<semaphore_mem>> -> memref<!tpu.dma_semaphore, #tpu.memory_space<semaphore_mem>>
          %dma_start3A_523 = arith.constant 0 : i32
          %dma_start3A_524 = arith.constant 0 : i32
          %dma_start3A_525 = arith.constant 0 : i32
          %dma_start3A_526 = tpu.memref_slice %run_scoped3A[%rem3A_509, %dma_start3A_523, %dma_start3A_524, %dma_start3A_525] : memref<2x1x1x128xf32, #tpu.memory_space<vmem>> -> memref<1x1x1x128xf32, #tpu.memory_space<vmem>>
          %dma_start3A_527 = tpu.memref_squeeze %dma_start3A_526 : memref<1x1x1x128xf32, #tpu.memory_space<vmem>> -> memref<1x1x128xf32, #tpu.memory_space<vmem>>
          %dma_start3A_528 = arith.constant 0 : i32
          %dma_start3A_529 = tpu.memref_slice %arg2[%mul3A_511, %mul3A_513, %dma_start3A_528] : memref<256x32x128xf32, #tpu.memory_space<hbm>> -> memref<1x1x128xf32, #tpu.memory_space<hbm>>
          tpu.enqueue_dma source(%dma_start3A_529 : memref<1x1x128xf32, #tpu.memory_space<hbm>>) target(%dma_start3A_527 : memref<1x1x128xf32, #tpu.memory_space<vmem>>) target_semaphore(%dma_start3A_522 : memref<!tpu.dma_semaphore, #tpu.memory_space<semaphore_mem>>)
          "tpu.trace_stop"() : () -> ()
        } else {
        }
        %and3A_303 = arith.constant true
        %and3A_304 = arith.andi %and3A, %and3A_303 : i1
        %add3A_305 = arith.constant 1 : i32
        %add3A_306 = arith.addi %scan3A_226, %add3A_305 : i32
        %select_n3A_307 = arith.select %and3A_304, %add3A_306, %scan3A_226 : i32
        %ne3A_308 = arith.cmpi ne, %add3A_238, %add3A_274 : i32
        %ne3A_309 = arith.cmpi ne, %add3A_240, %add3A_276 : i32
        %or3A_310 = arith.constant false
        %or3A_311 = arith.ori %or3A_310, %ne3A_308 : i1
        %or3A_312 = arith.ori %or3A_311, %ne3A_309 : i1
        %or3A_313 = arith.constant false
        %or3A_314 = arith.ori %or3A_312, %or3A_313 : i1
        %ge3A_315 = arith.constant 255 : i32
        %ge3A_316 = arith.cmpi sge, %scan3A_225, %ge3A_315 : i32
        %not3A_317 = arith.constant true
        %not3A_318 = arith.xori %ge3A_316, %not3A_317 : i1
        %and3A_319 = arith.andi %or3A_314, %not3A_318 : i1
        %convert_element_type3A_320 = arith.extui %and3A_319 : i1 to i32
        %cond3A_321 = arith.constant 0 : i32
        %cond3A_322 = arith.cmpi ne, %convert_element_type3A_320, %cond3A_321 : i32
        scf.if %cond3A_322 {
          "tpu.trace_start"() <{level = 10 : i32, message = "ep_copy_in"}> : () -> ()
          %rem3A_508 = arith.constant 2 : i32
          %rem3A_509 = arith.remui %scan3A_228, %rem3A_508 : i32
          %mul3A_510 = arith.constant 1 : i32
          %mul3A_511 = arith.muli %mul3A_510, %add3A_274 : i32
          %mul3A_512 = arith.constant 1 : i32
          %mul3A_513 = arith.muli %mul3A_512, %add3A_276 : i32
          %dma_start3A_514 = arith.constant 0 : i32
          %dma_start3A_515 = arith.constant 0 : i32
          %dma_start3A_516 = arith.constant 0 : i32
          %dma_start3A_517 = tpu.memref_slice %run_scoped3A_8[%rem3A_509, %dma_start3A_514, %dma_start3A_515, %dma_start3A_516] : memref<2x1x1x8192xf32, #tpu.memory_space<vmem>> -> memref<1x1x1x8192xf32, #tpu.memory_space<vmem>>
          %dma_start3A_518 = tpu.memref_squeeze %dma_start3A_517 : memref<1x1x1x8192xf32, #tpu.memory_space<vmem>> -> memref<1x1x8192xf32, #tpu.memory_space<vmem>>
          %dma_start3A_519 = arith.constant 0 : i32
          %dma_start3A_520 = tpu.memref_slice %arg3[%mul3A_511, %mul3A_513, %dma_start3A_519] : memref<256x32x8192xf32, #tpu.memory_space<hbm>> -> memref<1x1x8192xf32, #tpu.memory_space<hbm>>
          %dma_start3A_521 = tpu.memref_slice %run_scoped3A_9[%rem3A_509] : memref<2x!tpu.dma_semaphore, #tpu.memory_space<semaphore_mem>> -> memref<1x!tpu.dma_semaphore, #tpu.memory_space<semaphore_mem>>
          %dma_start3A_522 = tpu.memref_squeeze %dma_start3A_521 : memref<1x!tpu.dma_semaphore, #tpu.memory_space<semaphore_mem>> -> memref<!tpu.dma_semaphore, #tpu.memory_space<semaphore_mem>>
          %dma_start3A_523 = arith.constant 0 : i32
          %dma_start3A_524 = arith.constant 0 : i32
          %dma_start3A_525 = arith.constant 0 : i32
          %dma_start3A_526 = tpu.memref_slice %run_scoped3A_8[%rem3A_509, %dma_start3A_523, %dma_start3A_524, %dma_start3A_525] : memref<2x1x1x8192xf32, #tpu.memory_space<vmem>> -> memref<1x1x1x8192xf32, #tpu.memory_space<vmem>>
          %dma_start3A_527 = tpu.memref_squeeze %dma_start3A_526 : memref<1x1x1x8192xf32, #tpu.memory_space<vmem>> -> memref<1x1x8192xf32, #tpu.memory_space<vmem>>
          %dma_start3A_528 = arith.constant 0 : i32
          %dma_start3A_529 = tpu.memref_slice %arg3[%mul3A_511, %mul3A_513, %dma_start3A_528] : memref<256x32x8192xf32, #tpu.memory_space<hbm>> -> memref<1x1x8192xf32, #tpu.memory_space<hbm>>
          tpu.enqueue_dma source(%dma_start3A_529 : memref<1x1x8192xf32, #tpu.memory_space<hbm>>) target(%dma_start3A_527 : memref<1x1x8192xf32, #tpu.memory_space<vmem>>) target_semaphore(%dma_start3A_522 : memref<!tpu.dma_semaphore, #tpu.memory_space<semaphore_mem>>)
          "tpu.trace_stop"() : () -> ()
        } else {
        }
        %and3A_323 = arith.constant true
        %and3A_324 = arith.andi %and3A_319, %and3A_323 : i1
        %add3A_325 = arith.constant 1 : i32
        %add3A_326 = arith.addi %scan3A_228, %add3A_325 : i32
        %select_n3A_327 = arith.select %and3A_324, %add3A_326, %scan3A_228 : i32
        %ne3A_328 = arith.cmpi ne, %add3A_238, %add3A_274 : i32
        %ne3A_329 = arith.cmpi ne, %add3A_240, %add3A_276 : i32
        %or3A_330 = arith.constant false
        %or3A_331 = arith.ori %or3A_330, %ne3A_328 : i1
        %or3A_332 = arith.ori %or3A_331, %ne3A_329 : i1
        %or3A_333 = arith.constant false
        %or3A_334 = arith.ori %or3A_332, %or3A_333 : i1
        %ge3A_335 = arith.constant 255 : i32
        %ge3A_336 = arith.cmpi sge, %scan3A_225, %ge3A_335 : i32
        %not3A_337 = arith.constant true
        %not3A_338 = arith.xori %ge3A_336, %not3A_337 : i1
        %and3A_339 = arith.andi %or3A_334, %not3A_338 : i1
        %ne3A_340 = arith.cmpi ne, %add3A_238, %add3A_256 : i32
        %ne3A_341 = arith.cmpi ne, %add3A_240, %add3A_258 : i32
        %or3A_342 = arith.constant false
        %or3A_343 = arith.ori %or3A_342, %ne3A_340 : i1
        %or3A_344 = arith.ori %or3A_343, %ne3A_341 : i1
        %or3A_345 = arith.constant false
        %or3A_346 = arith.ori %or3A_344, %or3A_345 : i1
        %or3A_347 = arith.ori %or3A_346, %eq3A_235 : i1
        %convert_element_type3A_348 = arith.extui %or3A_347 : i1 to i32
        %cond3A_349 = arith.constant 0 : i32
        %cond3A_350 = arith.cmpi ne, %convert_element_type3A_348, %cond3A_349 : i32
        scf.if %cond3A_350 {
          "tpu.trace_start"() <{level = 10 : i32, message = "ep_wait_in"}> : () -> ()
          %mul3A_508 = arith.constant 1 : i32
          %mul3A_509 = arith.muli %mul3A_508, %add3A_238 : i32
          %mul3A_510 = arith.constant 1 : i32
          %mul3A_511 = arith.muli %mul3A_510, %add3A_240 : i32
          %rem3A_512 = arith.constant 2 : i32
          %rem3A_513 = arith.remui %scan3A_227, %rem3A_512 : i32
          %dma_wait3A_514 = arith.constant 0 : i32
          %dma_wait3A_515 = arith.constant 0 : i32
          %dma_wait3A_516 = arith.constant 0 : i32
          %dma_wait3A_517 = tpu.memref_slice %run_scoped3A[%rem3A_513, %dma_wait3A_514, %dma_wait3A_515, %dma_wait3A_516] : memref<2x1x1x128xf32, #tpu.memory_space<vmem>> -> memref<1x1x1x128xf32, #tpu.memory_space<vmem>>
          %dma_wait3A_518 = tpu.memref_squeeze %dma_wait3A_517 : memref<1x1x1x128xf32, #tpu.memory_space<vmem>> -> memref<1x1x128xf32, #tpu.memory_space<vmem>>
          %dma_wait3A_519 = arith.constant 0 : i32
          %dma_wait3A_520 = tpu.memref_slice %arg2[%mul3A_509, %mul3A_511, %dma_wait3A_519] : memref<256x32x128xf32, #tpu.memory_space<hbm>> -> memref<1x1x128xf32, #tpu.memory_space<hbm>>
          %dma_wait3A_521 = tpu.memref_slice %run_scoped3A_7[%rem3A_513] : memref<2x!tpu.dma_semaphore, #tpu.memory_space<semaphore_mem>> -> memref<1x!tpu.dma_semaphore, #tpu.memory_space<semaphore_mem>>
          %dma_wait3A_522 = tpu.memref_squeeze %dma_wait3A_521 : memref<1x!tpu.dma_semaphore, #tpu.memory_space<semaphore_mem>> -> memref<!tpu.dma_semaphore, #tpu.memory_space<semaphore_mem>>
          %dma_wait3A_523 = arith.constant 0 : i32
          %dma_wait3A_524 = arith.constant 0 : i32
          %dma_wait3A_525 = arith.constant 0 : i32
          %dma_wait3A_526 = tpu.memref_slice %run_scoped3A[%rem3A_513, %dma_wait3A_523, %dma_wait3A_524, %dma_wait3A_525] : memref<2x1x1x128xf32, #tpu.memory_space<vmem>> -> memref<1x1x1x128xf32, #tpu.memory_space<vmem>>
          %dma_wait3A_527 = tpu.memref_squeeze %dma_wait3A_526 : memref<1x1x1x128xf32, #tpu.memory_space<vmem>> -> memref<1x1x128xf32, #tpu.memory_space<vmem>>
          %dma_wait3A_528 = arith.constant 0 : i32
          %dma_wait3A_529 = tpu.memref_slice %arg2[%mul3A_509, %mul3A_511, %dma_wait3A_528] : memref<256x32x128xf32, #tpu.memory_space<hbm>> -> memref<1x1x128xf32, #tpu.memory_space<hbm>>
          tpu.wait_dma2 semaphore(%dma_wait3A_522 : memref<!tpu.dma_semaphore, #tpu.memory_space<semaphore_mem>>) src(%dma_wait3A_529 : memref<1x1x128xf32, #tpu.memory_space<hbm>>) dst(%dma_wait3A_527 : memref<1x1x128xf32, #tpu.memory_space<vmem>>)
          "tpu.trace_stop"() : () -> ()
        } else {
        }
        %ne3A_351 = arith.cmpi ne, %add3A_238, %add3A_256 : i32
        %ne3A_352 = arith.cmpi ne, %add3A_240, %add3A_258 : i32
        %or3A_353 = arith.constant false
        %or3A_354 = arith.ori %or3A_353, %ne3A_351 : i1
        %or3A_355 = arith.ori %or3A_354, %ne3A_352 : i1
        %or3A_356 = arith.constant false
        %or3A_357 = arith.ori %or3A_355, %or3A_356 : i1
        %or3A_358 = arith.ori %or3A_357, %eq3A_235 : i1
        %convert_element_type3A_359 = arith.extui %or3A_358 : i1 to i32
        %cond3A_360 = arith.constant 0 : i32
        %cond3A_361 = arith.cmpi ne, %convert_element_type3A_359, %cond3A_360 : i32
        scf.if %cond3A_361 {
          "tpu.trace_start"() <{level = 10 : i32, message = "ep_wait_in"}> : () -> ()
          %mul3A_508 = arith.constant 1 : i32
          %mul3A_509 = arith.muli %mul3A_508, %add3A_238 : i32
          %mul3A_510 = arith.constant 1 : i32
          %mul3A_511 = arith.muli %mul3A_510, %add3A_240 : i32
          %rem3A_512 = arith.constant 2 : i32
          %rem3A_513 = arith.remui %scan3A_229, %rem3A_512 : i32
          %dma_wait3A_514 = arith.constant 0 : i32
          %dma_wait3A_515 = arith.constant 0 : i32
          %dma_wait3A_516 = arith.constant 0 : i32
          %dma_wait3A_517 = tpu.memref_slice %run_scoped3A_8[%rem3A_513, %dma_wait3A_514, %dma_wait3A_515, %dma_wait3A_516] : memref<2x1x1x8192xf32, #tpu.memory_space<vmem>> -> memref<1x1x1x8192xf32, #tpu.memory_space<vmem>>
          %dma_wait3A_518 = tpu.memref_squeeze %dma_wait3A_517 : memref<1x1x1x8192xf32, #tpu.memory_space<vmem>> -> memref<1x1x8192xf32, #tpu.memory_space<vmem>>
          %dma_wait3A_519 = arith.constant 0 : i32
          %dma_wait3A_520 = tpu.memref_slice %arg3[%mul3A_509, %mul3A_511, %dma_wait3A_519] : memref<256x32x8192xf32, #tpu.memory_space<hbm>> -> memref<1x1x8192xf32, #tpu.memory_space<hbm>>
          %dma_wait3A_521 = tpu.memref_slice %run_scoped3A_9[%rem3A_513] : memref<2x!tpu.dma_semaphore, #tpu.memory_space<semaphore_mem>> -> memref<1x!tpu.dma_semaphore, #tpu.memory_space<semaphore_mem>>
          %dma_wait3A_522 = tpu.memref_squeeze %dma_wait3A_521 : memref<1x!tpu.dma_semaphore, #tpu.memory_space<semaphore_mem>> -> memref<!tpu.dma_semaphore, #tpu.memory_space<semaphore_mem>>
          %dma_wait3A_523 = arith.constant 0 : i32
          %dma_wait3A_524 = arith.constant 0 : i32
          %dma_wait3A_525 = arith.constant 0 : i32
          %dma_wait3A_526 = tpu.memref_slice %run_scoped3A_8[%rem3A_513, %dma_wait3A_523, %dma_wait3A_524, %dma_wait3A_525] : memref<2x1x1x8192xf32, #tpu.memory_space<vmem>> -> memref<1x1x1x8192xf32, #tpu.memory_space<vmem>>
          %dma_wait3A_527 = tpu.memref_squeeze %dma_wait3A_526 : memref<1x1x1x8192xf32, #tpu.memory_space<vmem>> -> memref<1x1x8192xf32, #tpu.memory_space<vmem>>
          %dma_wait3A_528 = arith.constant 0 : i32
          %dma_wait3A_529 = tpu.memref_slice %arg3[%mul3A_509, %mul3A_511, %dma_wait3A_528] : memref<256x32x8192xf32, #tpu.memory_space<hbm>> -> memref<1x1x8192xf32, #tpu.memory_space<hbm>>
          tpu.wait_dma2 semaphore(%dma_wait3A_522 : memref<!tpu.dma_semaphore, #tpu.memory_space<semaphore_mem>>) src(%dma_wait3A_529 : memref<1x1x8192xf32, #tpu.memory_space<hbm>>) dst(%dma_wait3A_527 : memref<1x1x8192xf32, #tpu.memory_space<vmem>>)
          "tpu.trace_stop"() : () -> ()
        } else {
        }
        %ne3A_362 = arith.cmpi ne, %add3A_238, %add3A_256 : i32
        %ne3A_363 = arith.cmpi ne, %add3A_240, %add3A_258 : i32
        %or3A_364 = arith.constant false
        %or3A_365 = arith.ori %or3A_364, %ne3A_362 : i1
        %or3A_366 = arith.ori %or3A_365, %ne3A_363 : i1
        %or3A_367 = arith.constant false
        %or3A_368 = arith.ori %or3A_366, %or3A_367 : i1
        %or3A_369 = arith.ori %or3A_368, %eq3A_235 : i1
        %convert_element_type3A_370 = arith.extui %or3A_369 : i1 to i32
        %cond3A_371 = arith.constant 0 : i32
        %cond3A_372 = arith.cmpi ne, %convert_element_type3A_370, %cond3A_371 : i32
        scf.if %cond3A_372 {
        } else {
        }
        %rem3A_373 = arith.constant 2 : i32
        %rem3A_374 = arith.remui %scan3A_227, %rem3A_373 : i32
        %rem3A_375 = arith.constant 2 : i32
        %rem3A_376 = arith.remui %scan3A_229, %rem3A_375 : i32
        %rem3A_377 = arith.constant 2 : i32
        %rem3A_378 = arith.remui %scan3A_230, %rem3A_377 : i32
        %parallel_loop3A = arith.constant 0 : i32
        %parallel_loop3A_379 = arith.constant 128 : i32
        %parallel_loop3A_380 = arith.constant 1 : i32
        "tpu.trace_start"() <{level = 10 : i32, message = "ep_run_kernel"}> : () -> ()
        scf.for %parallel_loop3A_508 = %parallel_loop3A to %parallel_loop3A_379 step %parallel_loop3A_380  : i32 {
          %parallel_loop3A_509 = arith.constant 0 : i32
          %parallel_loop3A_510 = arith.constant 0 : i32
          %parallel_loop3A_511 = arith.constant 0 : i32
          %parallel_loop3A_512 = arith.constant 0 : i32
          %parallel_loop3A_513 = arith.constant 0 : i32
          %parallel_loop3A_514 = tpu.memref_slice %run_scoped3A[%rem3A_374, %parallel_loop3A_511, %parallel_loop3A_512, %parallel_loop3A_513] : memref<2x1x1x128xf32, #tpu.memory_space<vmem>> -> memref<1x1x1x128xf32, #tpu.memory_space<vmem>>
          %parallel_loop3A_515 = tpu.memref_squeeze %parallel_loop3A_514 : memref<1x1x1x128xf32, #tpu.memory_space<vmem>> -> memref<1x1x128xf32, #tpu.memory_space<vmem>>
          %parallel_loop3A_516 = arith.index_cast %parallel_loop3A_509 : i32 to index
          %parallel_loop3A_517 = arith.index_cast %parallel_loop3A_510 : i32 to index
          %parallel_loop3A_518 = arith.index_cast %parallel_loop3A_508 : i32 to index
          %parallel_loop3A_519 = tpu.vector_load %parallel_loop3A_515[%parallel_loop3A_516, %parallel_loop3A_517, %parallel_loop3A_518] {strides = array<i32>} : memref<1x1x128xf32, #tpu.memory_space<vmem>>, vector<1x1x1xf32>,
          %parallel_loop3A_520 = vector.shape_cast %parallel_loop3A_519 : vector<1x1x1xf32> to vector<1xf32>
          %parallel_loop3A_521 = vector.extract %parallel_loop3A_520[0] : f32 from vector<1xf32>
          %parallel_loop3A_522 = arith.constant 64 : i32
          %parallel_loop3A_523 = arith.muli %parallel_loop3A_508, %parallel_loop3A_522 : i32
          %parallel_loop3A_524 = arith.constant 0 : i32
          %parallel_loop3A_525 = arith.addi %parallel_loop3A_523, %parallel_loop3A_524 : i32
          %parallel_loop3A_526 = arith.constant 0 : i32
          %parallel_loop3A_527 = arith.constant 0 : i32
          %parallel_loop3A_528 = arith.constant 0 : i32
          %parallel_loop3A_529 = arith.constant 0 : i32
          %parallel_loop3A_530 = arith.constant 0 : i32
          %parallel_loop3A_531 = tpu.memref_slice %run_scoped3A_8[%rem3A_376, %parallel_loop3A_528, %parallel_loop3A_529, %parallel_loop3A_530] : memref<2x1x1x8192xf32, #tpu.memory_space<vmem>> -> memref<1x1x1x8192xf32, #tpu.memory_space<vmem>>
          %parallel_loop3A_532 = tpu.memref_squeeze %parallel_loop3A_531 : memref<1x1x1x8192xf32, #tpu.memory_space<vmem>> -> memref<1x1x8192xf32, #tpu.memory_space<vmem>>
          %parallel_loop3A_533 = arith.index_cast %parallel_loop3A_526 : i32 to index
          %parallel_loop3A_534 = arith.index_cast %parallel_loop3A_527 : i32 to index
          %parallel_loop3A_535 = arith.index_cast %parallel_loop3A_525 : i32 to index
          %parallel_loop3A_536 = tpu.vector_load %parallel_loop3A_532[%parallel_loop3A_533, %parallel_loop3A_534, %parallel_loop3A_535] {strides = array<i32>} : memref<1x1x8192xf32, #tpu.memory_space<vmem>>, vector<1x1x16xf32>,
          %parallel_loop3A_537 = vector.shape_cast %parallel_loop3A_536 : vector<1x1x16xf32> to vector<16xf32>
          %parallel_loop3A_538 = vector.broadcast %parallel_loop3A_521 : f32 to vector<16xf32>
          %parallel_loop3A_539 = arith.mulf %parallel_loop3A_537, %parallel_loop3A_538 : vector<16xf32>
          %parallel_loop3A_540 = arith.constant 0 : i32
          %parallel_loop3A_541 = arith.constant 0 : i32
          %parallel_loop3A_542 = arith.constant 0 : i32
          %parallel_loop3A_543 = arith.constant 0 : i32
          %parallel_loop3A_544 = arith.constant 0 : i32
          %parallel_loop3A_545 = tpu.memref_slice %run_scoped3A_10[%rem3A_378, %parallel_loop3A_542, %parallel_loop3A_543, %parallel_loop3A_544] : memref<2x1x1x8192xf32, #tpu.memory_space<vmem>> -> memref<1x1x1x8192xf32, #tpu.memory_space<vmem>>
          %parallel_loop3A_546 = tpu.memref_squeeze %parallel_loop3A_545 : memref<1x1x1x8192xf32, #tpu.memory_space<vmem>> -> memref<1x1x8192xf32, #tpu.memory_space<vmem>>
          %parallel_loop3A_547 = arith.index_cast %parallel_loop3A_540 : i32 to index
          %parallel_loop3A_548 = arith.index_cast %parallel_loop3A_541 : i32 to index
          %parallel_loop3A_549 = arith.index_cast %parallel_loop3A_525 : i32 to index
          %parallel_loop3A_550 = tpu.vector_load %parallel_loop3A_546[%parallel_loop3A_547, %parallel_loop3A_548, %parallel_loop3A_549] {strides = array<i32>} : memref<1x1x8192xf32, #tpu.memory_space<vmem>>, vector<1x1x16xf32>,
          %parallel_loop3A_551 = vector.shape_cast %parallel_loop3A_550 : vector<1x1x16xf32> to vector<16xf32>
          %parallel_loop3A_552 = vector.shape_cast %parallel_loop3A_539 : vector<16xf32> to vector<1x1x16xf32>
          tpu.vector_store %parallel_loop3A_546[%parallel_loop3A_547, %parallel_loop3A_548, %parallel_loop3A_549], %parallel_loop3A_552 {strides = array<i32>} : memref<1x1x8192xf32, #tpu.memory_space<vmem>>, vector<1x1x16xf32>,
          %parallel_loop3A_553 = arith.constant 16 : i32
          %parallel_loop3A_554 = arith.addi %parallel_loop3A_523, %parallel_loop3A_553 : i32
          %parallel_loop3A_555 = arith.constant 0 : i32
          %parallel_loop3A_556 = arith.constant 0 : i32
          %parallel_loop3A_557 = arith.constant 0 : i32
          %parallel_loop3A_558 = arith.constant 0 : i32
          %parallel_loop3A_559 = arith.constant 0 : i32
          %parallel_loop3A_560 = tpu.memref_slice %run_scoped3A_8[%rem3A_376, %parallel_loop3A_557, %parallel_loop3A_558, %parallel_loop3A_559] : memref<2x1x1x8192xf32, #tpu.memory_space<vmem>> -> memref<1x1x1x8192xf32, #tpu.memory_space<vmem>>
          %parallel_loop3A_561 = tpu.memref_squeeze %parallel_loop3A_560 : memref<1x1x1x8192xf32, #tpu.memory_space<vmem>> -> memref<1x1x8192xf32, #tpu.memory_space<vmem>>
          %parallel_loop3A_562 = arith.index_cast %parallel_loop3A_555 : i32 to index
          %parallel_loop3A_563 = arith.index_cast %parallel_loop3A_556 : i32 to index
          %parallel_loop3A_564 = arith.index_cast %parallel_loop3A_554 : i32 to index
          %parallel_loop3A_565 = tpu.vector_load %parallel_loop3A_561[%parallel_loop3A_562, %parallel_loop3A_563, %parallel_loop3A_564] {strides = array<i32>} : memref<1x1x8192xf32, #tpu.memory_space<vmem>>, vector<1x1x16xf32>,
          %parallel_loop3A_566 = vector.shape_cast %parallel_loop3A_565 : vector<1x1x16xf32> to vector<16xf32>
          %parallel_loop3A_567 = vector.broadcast %parallel_loop3A_521 : f32 to vector<16xf32>
          %parallel_loop3A_568 = arith.mulf %parallel_loop3A_566, %parallel_loop3A_567 : vector<16xf32>
          %parallel_loop3A_569 = arith.constant 0 : i32
          %parallel_loop3A_570 = arith.constant 0 : i32
          %parallel_loop3A_571 = arith.constant 0 : i32
          %parallel_loop3A_572 = arith.constant 0 : i32
          %parallel_loop3A_573 = arith.constant 0 : i32
          %parallel_loop3A_574 = tpu.memref_slice %run_scoped3A_10[%rem3A_378, %parallel_loop3A_571, %parallel_loop3A_572, %parallel_loop3A_573] : memref<2x1x1x8192xf32, #tpu.memory_space<vmem>> -> memref<1x1x1x8192xf32, #tpu.memory_space<vmem>>
          %parallel_loop3A_575 = tpu.memref_squeeze %parallel_loop3A_574 : memref<1x1x1x8192xf32, #tpu.memory_space<vmem>> -> memref<1x1x8192xf32, #tpu.memory_space<vmem>>
          %parallel_loop3A_576 = arith.index_cast %parallel_loop3A_569 : i32 to index
          %parallel_loop3A_577 = arith.index_cast %parallel_loop3A_570 : i32 to index
          %parallel_loop3A_578 = arith.index_cast %parallel_loop3A_554 : i32 to index
          %parallel_loop3A_579 = tpu.vector_load %parallel_loop3A_575[%parallel_loop3A_576, %parallel_loop3A_577, %parallel_loop3A_578] {strides = array<i32>} : memref<1x1x8192xf32, #tpu.memory_space<vmem>>, vector<1x1x16xf32>,
          %parallel_loop3A_580 = vector.shape_cast %parallel_loop3A_579 : vector<1x1x16xf32> to vector<16xf32>
          %parallel_loop3A_581 = vector.shape_cast %parallel_loop3A_568 : vector<16xf32> to vector<1x1x16xf32>
          tpu.vector_store %parallel_loop3A_575[%parallel_loop3A_576, %parallel_loop3A_577, %parallel_loop3A_578], %parallel_loop3A_581 {strides = array<i32>} : memref<1x1x8192xf32, #tpu.memory_space<vmem>>, vector<1x1x16xf32>,
          %parallel_loop3A_582 = arith.constant 32 : i32
          %parallel_loop3A_583 = arith.addi %parallel_loop3A_523, %parallel_loop3A_582 : i32
          %parallel_loop3A_584 = arith.constant 0 : i32
          %parallel_loop3A_585 = arith.constant 0 : i32
          %parallel_loop3A_586 = arith.constant 0 : i32
          %parallel_loop3A_587 = arith.constant 0 : i32
          %parallel_loop3A_588 = arith.constant 0 : i32
          %parallel_loop3A_589 = tpu.memref_slice %run_scoped3A_8[%rem3A_376, %parallel_loop3A_586, %parallel_loop3A_587, %parallel_loop3A_588] : memref<2x1x1x8192xf32, #tpu.memory_space<vmem>> -> memref<1x1x1x8192xf32, #tpu.memory_space<vmem>>
          %parallel_loop3A_590 = tpu.memref_squeeze %parallel_loop3A_589 : memref<1x1x1x8192xf32, #tpu.memory_space<vmem>> -> memref<1x1x8192xf32, #tpu.memory_space<vmem>>
          %parallel_loop3A_591 = arith.index_cast %parallel_loop3A_584 : i32 to index
          %parallel_loop3A_592 = arith.index_cast %parallel_loop3A_585 : i32 to index
          %parallel_loop3A_593 = arith.index_cast %parallel_loop3A_583 : i32 to index
          %parallel_loop3A_594 = tpu.vector_load %parallel_loop3A_590[%parallel_loop3A_591, %parallel_loop3A_592, %parallel_loop3A_593] {strides = array<i32>} : memref<1x1x8192xf32, #tpu.memory_space<vmem>>, vector<1x1x16xf32>,
          %parallel_loop3A_595 = vector.shape_cast %parallel_loop3A_594 : vector<1x1x16xf32> to vector<16xf32>
          %parallel_loop3A_596 = vector.broadcast %parallel_loop3A_521 : f32 to vector<16xf32>
          %parallel_loop3A_597 = arith.mulf %parallel_loop3A_595, %parallel_loop3A_596 : vector<16xf32>
          %parallel_loop3A_598 = arith.constant 0 : i32
          %parallel_loop3A_599 = arith.constant 0 : i32
          %parallel_loop3A_600 = arith.constant 0 : i32
          %parallel_loop3A_601 = arith.constant 0 : i32
          %parallel_loop3A_602 = arith.constant 0 : i32
          %parallel_loop3A_603 = tpu.memref_slice %run_scoped3A_10[%rem3A_378, %parallel_loop3A_600, %parallel_loop3A_601, %parallel_loop3A_602] : memref<2x1x1x8192xf32, #tpu.memory_space<vmem>> -> memref<1x1x1x8192xf32, #tpu.memory_space<vmem>>
          %parallel_loop3A_604 = tpu.memref_squeeze %parallel_loop3A_603 : memref<1x1x1x8192xf32, #tpu.memory_space<vmem>> -> memref<1x1x8192xf32, #tpu.memory_space<vmem>>
          %parallel_loop3A_605 = arith.index_cast %parallel_loop3A_598 : i32 to index
          %parallel_loop3A_606 = arith.index_cast %parallel_loop3A_599 : i32 to index
          %parallel_loop3A_607 = arith.index_cast %parallel_loop3A_583 : i32 to index
          %parallel_loop3A_608 = tpu.vector_load %parallel_loop3A_604[%parallel_loop3A_605, %parallel_loop3A_606, %parallel_loop3A_607] {strides = array<i32>} : memref<1x1x8192xf32, #tpu.memory_space<vmem>>, vector<1x1x16xf32>,
          %parallel_loop3A_609 = vector.shape_cast %parallel_loop3A_608 : vector<1x1x16xf32> to vector<16xf32>
          %parallel_loop3A_610 = vector.shape_cast %parallel_loop3A_597 : vector<16xf32> to vector<1x1x16xf32>
          tpu.vector_store %parallel_loop3A_604[%parallel_loop3A_605, %parallel_loop3A_606, %parallel_loop3A_607], %parallel_loop3A_610 {strides = array<i32>} : memref<1x1x8192xf32, #tpu.memory_space<vmem>>, vector<1x1x16xf32>,
          %parallel_loop3A_611 = arith.constant 48 : i32
          %parallel_loop3A_612 = arith.addi %parallel_loop3A_523, %parallel_loop3A_611 : i32
          %parallel_loop3A_613 = arith.constant 0 : i32
          %parallel_loop3A_614 = arith.constant 0 : i32
          %parallel_loop3A_615 = arith.constant 0 : i32
          %parallel_loop3A_616 = arith.constant 0 : i32
          %parallel_loop3A_617 = arith.constant 0 : i32
          %parallel_loop3A_618 = tpu.memref_slice %run_scoped3A_8[%rem3A_376, %parallel_loop3A_615, %parallel_loop3A_616, %parallel_loop3A_617] : memref<2x1x1x8192xf32, #tpu.memory_space<vmem>> -> memref<1x1x1x8192xf32, #tpu.memory_space<vmem>>
          %parallel_loop3A_619 = tpu.memref_squeeze %parallel_loop3A_618 : memref<1x1x1x8192xf32, #tpu.memory_space<vmem>> -> memref<1x1x8192xf32, #tpu.memory_space<vmem>>
          %parallel_loop3A_620 = arith.index_cast %parallel_loop3A_613 : i32 to index
          %parallel_loop3A_621 = arith.index_cast %parallel_loop3A_614 : i32 to index
          %parallel_loop3A_622 = arith.index_cast %parallel_loop3A_612 : i32 to index
          %parallel_loop3A_623 = tpu.vector_load %parallel_loop3A_619[%parallel_loop3A_620, %parallel_loop3A_621, %parallel_loop3A_622] {strides = array<i32>} : memref<1x1x8192xf32, #tpu.memory_space<vmem>>, vector<1x1x16xf32>,
          %parallel_loop3A_624 = vector.shape_cast %parallel_loop3A_623 : vector<1x1x16xf32> to vector<16xf32>
          %parallel_loop3A_625 = vector.broadcast %parallel_loop3A_521 : f32 to vector<16xf32>
          %parallel_loop3A_626 = arith.mulf %parallel_loop3A_624, %parallel_loop3A_625 : vector<16xf32>
          %parallel_loop3A_627 = arith.constant 0 : i32
          %parallel_loop3A_628 = arith.constant 0 : i32
          %parallel_loop3A_629 = arith.constant 0 : i32
          %parallel_loop3A_630 = arith.constant 0 : i32
          %parallel_loop3A_631 = arith.constant 0 : i32
          %parallel_loop3A_632 = tpu.memref_slice %run_scoped3A_10[%rem3A_378, %parallel_loop3A_629, %parallel_loop3A_630, %parallel_loop3A_631] : memref<2x1x1x8192xf32, #tpu.memory_space<vmem>> -> memref<1x1x1x8192xf32, #tpu.memory_space<vmem>>
          %parallel_loop3A_633 = tpu.memref_squeeze %parallel_loop3A_632 : memref<1x1x1x8192xf32, #tpu.memory_space<vmem>> -> memref<1x1x8192xf32, #tpu.memory_space<vmem>>
          %parallel_loop3A_634 = arith.index_cast %parallel_loop3A_627 : i32 to index
          %parallel_loop3A_635 = arith.index_cast %parallel_loop3A_628 : i32 to index
          %parallel_loop3A_636 = arith.index_cast %parallel_loop3A_612 : i32 to index
          %parallel_loop3A_637 = tpu.vector_load %parallel_loop3A_633[%parallel_loop3A_634, %parallel_loop3A_635, %parallel_loop3A_636] {strides = array<i32>} : memref<1x1x8192xf32, #tpu.memory_space<vmem>>, vector<1x1x16xf32>,
          %parallel_loop3A_638 = vector.shape_cast %parallel_loop3A_637 : vector<1x1x16xf32> to vector<16xf32>
          %parallel_loop3A_639 = vector.shape_cast %parallel_loop3A_626 : vector<16xf32> to vector<1x1x16xf32>
          tpu.vector_store %parallel_loop3A_633[%parallel_loop3A_634, %parallel_loop3A_635, %parallel_loop3A_636], %parallel_loop3A_639 {strides = array<i32>} : memref<1x1x8192xf32, #tpu.memory_space<vmem>>, vector<1x1x16xf32>,
        } {sc.loop_unroll_factor = 4 : i64, sc.parallel_access}
        "tpu.trace_stop"() : () -> ()
        %ne3A_381 = arith.cmpi ne, %add3A_238, %add3A_274 : i32
        %ne3A_382 = arith.cmpi ne, %add3A_240, %add3A_276 : i32
        %or3A_383 = arith.constant false
        %or3A_384 = arith.ori %or3A_383, %ne3A_381 : i1
        %or3A_385 = arith.ori %or3A_384, %ne3A_382 : i1
        %or3A_386 = arith.constant false
        %or3A_387 = arith.ori %or3A_385, %or3A_386 : i1
        %or3A_388 = arith.ori %or3A_387, %eq3A_237 : i1
        %convert_element_type3A_389 = arith.extui %or3A_388 : i1 to i32
        %cond3A_390 = arith.constant 0 : i32
        %cond3A_391 = arith.cmpi ne, %convert_element_type3A_389, %cond3A_390 : i32
        scf.if %cond3A_391 {
        } else {
        }
        %and3A_392 = arith.constant false
        %and3A_393 = arith.andi %or3A_388, %and3A_392 : i1
        %ne3A_394 = arith.cmpi ne, %add3A_238, %add3A_274 : i32
        %ne3A_395 = arith.cmpi ne, %add3A_240, %add3A_276 : i32
        %or3A_396 = arith.constant false
        %or3A_397 = arith.ori %or3A_396, %ne3A_394 : i1
        %or3A_398 = arith.ori %or3A_397, %ne3A_395 : i1
        %or3A_399 = arith.constant false
        %or3A_400 = arith.ori %or3A_398, %or3A_399 : i1
        %or3A_401 = arith.ori %or3A_400, %eq3A_237 : i1
        %convert_element_type3A_402 = arith.extui %or3A_401 : i1 to i32
        %cond3A_403 = arith.constant 0 : i32
        %cond3A_404 = arith.cmpi ne, %convert_element_type3A_402, %cond3A_403 : i32
        scf.if %cond3A_404 {
        } else {
        }
        %and3A_405 = arith.constant false
        %and3A_406 = arith.andi %or3A_401, %and3A_405 : i1
        %ne3A_407 = arith.cmpi ne, %add3A_238, %add3A_274 : i32
        %ne3A_408 = arith.cmpi ne, %add3A_240, %add3A_276 : i32
        %or3A_409 = arith.constant false
        %or3A_410 = arith.ori %or3A_409, %ne3A_407 : i1
        %or3A_411 = arith.ori %or3A_410, %ne3A_408 : i1
        %or3A_412 = arith.constant false
        %or3A_413 = arith.ori %or3A_411, %or3A_412 : i1
        %or3A_414 = arith.ori %or3A_413, %eq3A_237 : i1
        %convert_element_type3A_415 = arith.extui %or3A_414 : i1 to i32
        %cond3A_416 = arith.constant 0 : i32
        %cond3A_417 = arith.cmpi ne, %convert_element_type3A_415, %cond3A_416 : i32
        scf.if %cond3A_417 {
          "tpu.trace_start"() <{level = 10 : i32, message = "ep_copy_out"}> : () -> ()
          %rem3A_508 = arith.constant 2 : i32
          %rem3A_509 = arith.remui %scan3A_230, %rem3A_508 : i32
          %mul3A_510 = arith.constant 1 : i32
          %mul3A_511 = arith.muli %mul3A_510, %add3A_238 : i32
          %mul3A_512 = arith.constant 1 : i32
          %mul3A_513 = arith.muli %mul3A_512, %add3A_240 : i32
          %dma_start3A_514 = arith.constant 0 : i32
          %dma_start3A_515 = arith.constant 0 : i32
          %dma_start3A_516 = arith.constant 0 : i32
          %dma_start3A_517 = tpu.memref_slice %run_scoped3A_10[%rem3A_509, %dma_start3A_514, %dma_start3A_515, %dma_start3A_516] : memref<2x1x1x8192xf32, #tpu.memory_space<vmem>> -> memref<1x1x1x8192xf32, #tpu.memory_space<vmem>>
          %dma_start3A_518 = tpu.memref_squeeze %dma_start3A_517 : memref<1x1x1x8192xf32, #tpu.memory_space<vmem>> -> memref<1x1x8192xf32, #tpu.memory_space<vmem>>
          %dma_start3A_519 = arith.constant 0 : i32
          %dma_start3A_520 = tpu.memref_slice %arg4[%mul3A_511, %mul3A_513, %dma_start3A_519] : memref<256x32x8192xf32, #tpu.memory_space<hbm>> -> memref<1x1x8192xf32, #tpu.memory_space<hbm>>
          %dma_start3A_521 = tpu.memref_slice %run_scoped3A_11[%rem3A_509] : memref<2x!tpu.dma_semaphore, #tpu.memory_space<semaphore_mem>> -> memref<1x!tpu.dma_semaphore, #tpu.memory_space<semaphore_mem>>
          %dma_start3A_522 = tpu.memref_squeeze %dma_start3A_521 : memref<1x!tpu.dma_semaphore, #tpu.memory_space<semaphore_mem>> -> memref<!tpu.dma_semaphore, #tpu.memory_space<semaphore_mem>>
          %dma_start3A_523 = arith.constant 0 : i32
          %dma_start3A_524 = tpu.memref_slice %arg4[%mul3A_511, %mul3A_513, %dma_start3A_523] : memref<256x32x8192xf32, #tpu.memory_space<hbm>> -> memref<1x1x8192xf32, #tpu.memory_space<hbm>>
          %dma_start3A_525 = arith.constant 0 : i32
          %dma_start3A_526 = arith.constant 0 : i32
          %dma_start3A_527 = arith.constant 0 : i32
          %dma_start3A_528 = tpu.memref_slice %run_scoped3A_10[%rem3A_509, %dma_start3A_525, %dma_start3A_526, %dma_start3A_527] : memref<2x1x1x8192xf32, #tpu.memory_space<vmem>> -> memref<1x1x1x8192xf32, #tpu.memory_space<vmem>>
          %dma_start3A_529 = tpu.memref_squeeze %dma_start3A_528 : memref<1x1x1x8192xf32, #tpu.memory_space<vmem>> -> memref<1x1x8192xf32, #tpu.memory_space<vmem>>
          tpu.enqueue_dma source(%dma_start3A_529 : memref<1x1x8192xf32, #tpu.memory_space<vmem>>) target(%dma_start3A_524 : memref<1x1x8192xf32, #tpu.memory_space<hbm>>) target_semaphore(%dma_start3A_522 : memref<!tpu.dma_semaphore, #tpu.memory_space<semaphore_mem>>)
          "tpu.trace_stop"() : () -> ()
        } else {
        }
        %and3A_418 = arith.constant true
        %and3A_419 = arith.andi %or3A_414, %and3A_418 : i1
        %add3A_420 = arith.constant 1 : i32
        %add3A_421 = arith.addi %scan3A_230, %add3A_420 : i32
        %select_n3A_422 = arith.select %and3A_419, %add3A_421, %scan3A_230 : i32
        %ne3A_423 = arith.cmpi ne, %add3A_238, %add3A_256 : i32
        %ne3A_424 = arith.cmpi ne, %add3A_240, %add3A_258 : i32
        %or3A_425 = arith.constant false
        %or3A_426 = arith.ori %or3A_425, %ne3A_423 : i1
        %or3A_427 = arith.ori %or3A_426, %ne3A_424 : i1
        %or3A_428 = arith.constant false
        %or3A_429 = arith.ori %or3A_427, %or3A_428 : i1
        %not3A_430 = arith.constant true
        %not3A_431 = arith.xori %eq3A_235, %not3A_430 : i1
        %and3A_432 = arith.andi %or3A_429, %not3A_431 : i1
        %convert_element_type3A_433 = arith.extui %and3A_432 : i1 to i32
        %cond3A_434 = arith.constant 0 : i32
        %cond3A_435 = arith.cmpi ne, %convert_element_type3A_433, %cond3A_434 : i32
        scf.if %cond3A_435 {
        } else {
        }
        %and3A_436 = arith.constant false
        %and3A_437 = arith.andi %and3A_432, %and3A_436 : i1
        %ne3A_438 = arith.cmpi ne, %add3A_238, %add3A_256 : i32
        %ne3A_439 = arith.cmpi ne, %add3A_240, %add3A_258 : i32
        %or3A_440 = arith.constant false
        %or3A_441 = arith.ori %or3A_440, %ne3A_438 : i1
        %or3A_442 = arith.ori %or3A_441, %ne3A_439 : i1
        %or3A_443 = arith.constant false
        %or3A_444 = arith.ori %or3A_442, %or3A_443 : i1
        %not3A_445 = arith.constant true
        %not3A_446 = arith.xori %eq3A_235, %not3A_445 : i1
        %and3A_447 = arith.andi %or3A_444, %not3A_446 : i1
        %convert_element_type3A_448 = arith.extui %and3A_447 : i1 to i32
        %cond3A_449 = arith.constant 0 : i32
        %cond3A_450 = arith.cmpi ne, %convert_element_type3A_448, %cond3A_449 : i32
        scf.if %cond3A_450 {
        } else {
        }
        %and3A_451 = arith.constant false
        %and3A_452 = arith.andi %and3A_447, %and3A_451 : i1
        %ne3A_453 = arith.cmpi ne, %add3A_238, %add3A_256 : i32
        %ne3A_454 = arith.cmpi ne, %add3A_240, %add3A_258 : i32
        %or3A_455 = arith.constant false
        %or3A_456 = arith.ori %or3A_455, %ne3A_453 : i1
        %or3A_457 = arith.ori %or3A_456, %ne3A_454 : i1
        %or3A_458 = arith.constant false
        %or3A_459 = arith.ori %or3A_457, %or3A_458 : i1
        %not3A_460 = arith.constant true
        %not3A_461 = arith.xori %eq3A_235, %not3A_460 : i1
        %and3A_462 = arith.andi %or3A_459, %not3A_461 : i1
        %convert_element_type3A_463 = arith.extui %and3A_462 : i1 to i32
        %cond3A_464 = arith.constant 0 : i32
        %cond3A_465 = arith.cmpi ne, %convert_element_type3A_463, %cond3A_464 : i32
        scf.if %cond3A_465 {
          "tpu.trace_start"() <{level = 10 : i32, message = "ep_wait_out"}> : () -> ()
          %rem3A_508 = arith.constant 2 : i32
          %rem3A_509 = arith.remui %scan3A_231, %rem3A_508 : i32
          %mul3A_510 = arith.constant 1 : i32
          %mul3A_511 = arith.muli %mul3A_510, %add3A_256 : i32
          %mul3A_512 = arith.constant 1 : i32
          %mul3A_513 = arith.muli %mul3A_512, %add3A_258 : i32
          %dma_wait3A_514 = arith.constant 0 : i32
          %dma_wait3A_515 = arith.constant 0 : i32
          %dma_wait3A_516 = arith.constant 0 : i32
          %dma_wait3A_517 = tpu.memref_slice %run_scoped3A_10[%rem3A_509, %dma_wait3A_514, %dma_wait3A_515, %dma_wait3A_516] : memref<2x1x1x8192xf32, #tpu.memory_space<vmem>> -> memref<1x1x1x8192xf32, #tpu.memory_space<vmem>>
          %dma_wait3A_518 = tpu.memref_squeeze %dma_wait3A_517 : memref<1x1x1x8192xf32, #tpu.memory_space<vmem>> -> memref<1x1x8192xf32, #tpu.memory_space<vmem>>
          %dma_wait3A_519 = arith.constant 0 : i32
          %dma_wait3A_520 = tpu.memref_slice %arg4[%mul3A_511, %mul3A_513, %dma_wait3A_519] : memref<256x32x8192xf32, #tpu.memory_space<hbm>> -> memref<1x1x8192xf32, #tpu.memory_space<hbm>>
          %dma_wait3A_521 = tpu.memref_slice %run_scoped3A_11[%rem3A_509] : memref<2x!tpu.dma_semaphore, #tpu.memory_space<semaphore_mem>> -> memref<1x!tpu.dma_semaphore, #tpu.memory_space<semaphore_mem>>
          %dma_wait3A_522 = tpu.memref_squeeze %dma_wait3A_521 : memref<1x!tpu.dma_semaphore, #tpu.memory_space<semaphore_mem>> -> memref<!tpu.dma_semaphore, #tpu.memory_space<semaphore_mem>>
          %dma_wait3A_523 = arith.constant 0 : i32
          %dma_wait3A_524 = tpu.memref_slice %arg4[%mul3A_511, %mul3A_513, %dma_wait3A_523] : memref<256x32x8192xf32, #tpu.memory_space<hbm>> -> memref<1x1x8192xf32, #tpu.memory_space<hbm>>
          %dma_wait3A_525 = arith.constant 0 : i32
          %dma_wait3A_526 = arith.constant 0 : i32
          %dma_wait3A_527 = arith.constant 0 : i32
          %dma_wait3A_528 = tpu.memref_slice %run_scoped3A_10[%rem3A_509, %dma_wait3A_525, %dma_wait3A_526, %dma_wait3A_527] : memref<2x1x1x8192xf32, #tpu.memory_space<vmem>> -> memref<1x1x1x8192xf32, #tpu.memory_space<vmem>>
          %dma_wait3A_529 = tpu.memref_squeeze %dma_wait3A_528 : memref<1x1x1x8192xf32, #tpu.memory_space<vmem>> -> memref<1x1x8192xf32, #tpu.memory_space<vmem>>
          tpu.wait_dma2 semaphore(%dma_wait3A_522 : memref<!tpu.dma_semaphore, #tpu.memory_space<semaphore_mem>>) src(%dma_wait3A_529 : memref<1x1x8192xf32, #tpu.memory_space<vmem>>) dst(%dma_wait3A_524 : memref<1x1x8192xf32, #tpu.memory_space<hbm>>)
          "tpu.trace_stop"() : () -> ()
        } else {
        }
        %and3A_466 = arith.constant true
        %and3A_467 = arith.andi %and3A_462, %and3A_466 : i1
        %add3A_468 = arith.constant 1 : i32
        %add3A_469 = arith.addi %scan3A_231, %add3A_468 : i32
        %select_n3A_470 = arith.select %and3A_467, %add3A_469, %scan3A_231 : i32
        %ne3A_471 = arith.cmpi ne, %add3A_238, %add3A_274 : i32
        %ne3A_472 = arith.cmpi ne, %add3A_240, %add3A_276 : i32
        %or3A_473 = arith.constant false
        %or3A_474 = arith.ori %or3A_473, %ne3A_471 : i1
        %or3A_475 = arith.ori %or3A_474, %ne3A_472 : i1
        %or3A_476 = arith.constant false
        %or3A_477 = arith.ori %or3A_475, %or3A_476 : i1
        %or3A_478 = arith.ori %or3A_477, %eq3A_237 : i1
        %add3A_479 = arith.constant 1 : i32
        %add3A_480 = arith.addi %scan3A_227, %add3A_479 : i32
        %select_n3A_481 = arith.select %or3A_478, %add3A_480, %scan3A_227 : i32
        %ne3A_482 = arith.cmpi ne, %add3A_238, %add3A_274 : i32
        %ne3A_483 = arith.cmpi ne, %add3A_240, %add3A_276 : i32
        %or3A_484 = arith.constant false
        %or3A_485 = arith.ori %or3A_484, %ne3A_482 : i1
        %or3A_486 = arith.ori %or3A_485, %ne3A_483 : i1
        %or3A_487 = arith.constant false
        %or3A_488 = arith.ori %or3A_486, %or3A_487 : i1
        %or3A_489 = arith.ori %or3A_488, %eq3A_237 : i1
        %add3A_490 = arith.constant 1 : i32
        %add3A_491 = arith.addi %scan3A_229, %add3A_490 : i32
        %select_n3A_492 = arith.select %or3A_489, %add3A_491, %scan3A_229 : i32
        %add3A_493 = arith.constant 1 : i32
        %add3A_494 = arith.addi %scan3A_233, %add3A_493 : i32
        %select_n3A_495 = arith.constant true
        %select_n3A_496 = arith.select %select_n3A_495, %add3A_494, %scan3A_233 : i32
        %eq3A_497 = arith.constant 32 : i32
        %eq3A_498 = arith.cmpi eq, %select_n3A_496, %eq3A_497 : i32
        %select_n3A_499 = arith.constant 0 : i32
        %select_n3A_500 = arith.select %eq3A_498, %select_n3A_499, %select_n3A_496 : i32
        %add3A_501 = arith.constant 1 : i32
        %add3A_502 = arith.addi %scan3A_232, %add3A_501 : i32
        %select_n3A_503 = arith.select %eq3A_498, %add3A_502, %scan3A_232 : i32
        %eq3A_504 = arith.constant 8 : i32
        %eq3A_505 = arith.cmpi eq, %select_n3A_503, %eq3A_504 : i32
        %select_n3A_506 = arith.constant 0 : i32
        %select_n3A_507 = arith.select %eq3A_505, %select_n3A_506, %select_n3A_503 : i32
        scf.yield %select_n3A_307, %select_n3A_481, %select_n3A_327, %select_n3A_492, %select_n3A_422, %select_n3A_470, %select_n3A_507, %select_n3A_500 : i32, i32, i32, i32, i32, i32, i32, i32
      }
      %scan3A_132 = arith.constant 256 : i32
      %sub3A = arith.constant 1 : i32
      %sub3A_133 = arith.subi %scan3A_131#7, %sub3A : i32
      %select_n3A_134 = arith.constant true
      %select_n3A_135 = arith.select %select_n3A_134, %sub3A_133, %scan3A_131#7 : i32
      %eq3A_136 = arith.constant -1 : i32
      %eq3A_137 = arith.cmpi eq, %select_n3A_135, %eq3A_136 : i32
      %select_n3A_138 = arith.constant 31 : i32
      %select_n3A_139 = arith.select %eq3A_137, %select_n3A_138, %select_n3A_135 : i32
      %sub3A_140 = arith.constant 1 : i32
      %sub3A_141 = arith.subi %scan3A_131#6, %sub3A_140 : i32
      %select_n3A_142 = arith.select %eq3A_137, %sub3A_141, %scan3A_131#6 : i32
      %eq3A_143 = arith.constant -1 : i32
      %eq3A_144 = arith.cmpi eq, %select_n3A_142, %eq3A_143 : i32
      %select_n3A_145 = arith.constant 7 : i32
      %select_n3A_146 = arith.select %eq3A_144, %select_n3A_145, %select_n3A_142 : i32
      %add3A_147 = arith.addi %select_n3A_146, %mul3A_6 : i32
      %add3A_148 = arith.constant 0 : i32
      %add3A_149 = arith.addi %select_n3A_139, %add3A_148 : i32
      %sub3A_150 = arith.constant 1 : i32
      %sub3A_151 = arith.subi %select_n3A_139, %sub3A_150 : i32
      %select_n3A_152 = arith.constant true
      %select_n3A_153 = arith.select %select_n3A_152, %sub3A_151, %select_n3A_139 : i32
      %eq3A_154 = arith.constant -1 : i32
      %eq3A_155 = arith.cmpi eq, %select_n3A_153, %eq3A_154 : i32
      %select_n3A_156 = arith.constant 31 : i32
      %select_n3A_157 = arith.select %eq3A_155, %select_n3A_156, %select_n3A_153 : i32
      %sub3A_158 = arith.constant 1 : i32
      %sub3A_159 = arith.subi %select_n3A_146, %sub3A_158 : i32
      %select_n3A_160 = arith.select %eq3A_155, %sub3A_159, %select_n3A_146 : i32
      %eq3A_161 = arith.constant -1 : i32
      %eq3A_162 = arith.cmpi eq, %select_n3A_160, %eq3A_161 : i32
      %select_n3A_163 = arith.constant 7 : i32
      %select_n3A_164 = arith.select %eq3A_162, %select_n3A_163, %select_n3A_160 : i32
      %add3A_165 = arith.addi %select_n3A_164, %mul3A_6 : i32
      %add3A_166 = arith.constant 0 : i32
      %add3A_167 = arith.addi %select_n3A_157, %add3A_166 : i32
      %add3A_168 = arith.constant 1 : i32
      %add3A_169 = arith.addi %select_n3A_139, %add3A_168 : i32
      %select_n3A_170 = arith.constant true
      %select_n3A_171 = arith.select %select_n3A_170, %add3A_169, %select_n3A_139 : i32
      %eq3A_172 = arith.constant 32 : i32
      %eq3A_173 = arith.cmpi eq, %select_n3A_171, %eq3A_172 : i32
      %select_n3A_174 = arith.constant 0 : i32
      %select_n3A_175 = arith.select %eq3A_173, %select_n3A_174, %select_n3A_171 : i32
      %add3A_176 = arith.constant 1 : i32
      %add3A_177 = arith.addi %select_n3A_146, %add3A_176 : i32
      %select_n3A_178 = arith.select %eq3A_173, %add3A_177, %select_n3A_146 : i32
      %eq3A_179 = arith.constant 8 : i32
      %eq3A_180 = arith.cmpi eq, %select_n3A_178, %eq3A_179 : i32
      %select_n3A_181 = arith.constant 0 : i32
      %select_n3A_182 = arith.select %eq3A_180, %select_n3A_181, %select_n3A_178 : i32
      %add3A_183 = arith.addi %select_n3A_182, %mul3A_6 : i32
      %add3A_184 = arith.constant 0 : i32
      %add3A_185 = arith.addi %select_n3A_175, %add3A_184 : i32
      %add3A_186 = arith.constant 1 : i32
      %add3A_187 = arith.addi %select_n3A_175, %add3A_186 : i32
      %select_n3A_188 = arith.constant true
      %select_n3A_189 = arith.select %select_n3A_188, %add3A_187, %select_n3A_175 : i32
      %eq3A_190 = arith.constant 32 : i32
      %eq3A_191 = arith.cmpi eq, %select_n3A_189, %eq3A_190 : i32
      %select_n3A_192 = arith.constant 0 : i32
      %select_n3A_193 = arith.select %eq3A_191, %select_n3A_192, %select_n3A_189 : i32
      %add3A_194 = arith.constant 1 : i32
      %add3A_195 = arith.addi %select_n3A_182, %add3A_194 : i32
      %select_n3A_196 = arith.select %eq3A_191, %add3A_195, %select_n3A_182 : i32
      %eq3A_197 = arith.constant 8 : i32
      %eq3A_198 = arith.cmpi eq, %select_n3A_196, %eq3A_197 : i32
      %select_n3A_199 = arith.constant 0 : i32
      %select_n3A_200 = arith.select %eq3A_198, %select_n3A_199, %select_n3A_196 : i32
      %add3A_201 = arith.addi %select_n3A_200, %mul3A_6 : i32
      %add3A_202 = arith.constant 0 : i32
      %add3A_203 = arith.addi %select_n3A_193, %add3A_202 : i32
      "tpu.trace_start"() <{level = 10 : i32, message = "ep_finalize"}> : () -> ()
      %rem3A_204 = arith.constant 2 : i32
      %rem3A_205 = arith.remui %scan3A_131#5, %rem3A_204 : i32
      %mul3A_206 = arith.constant 1 : i32
      %mul3A_207 = arith.muli %mul3A_206, %add3A_147 : i32
      %mul3A_208 = arith.constant 1 : i32
      %mul3A_209 = arith.muli %mul3A_208, %add3A_149 : i32
      %dma_wait3A = arith.constant 0 : i32
      %dma_wait3A_210 = arith.constant 0 : i32
      %dma_wait3A_211 = arith.constant 0 : i32
      %dma_wait3A_212 = tpu.memref_slice %run_scoped3A_10[%rem3A_205, %dma_wait3A, %dma_wait3A_210, %dma_wait3A_211] : memref<2x1x1x8192xf32, #tpu.memory_space<vmem>> -> memref<1x1x1x8192xf32, #tpu.memory_space<vmem>>
      %dma_wait3A_213 = tpu.memref_squeeze %dma_wait3A_212 : memref<1x1x1x8192xf32, #tpu.memory_space<vmem>> -> memref<1x1x8192xf32, #tpu.memory_space<vmem>>
      %dma_wait3A_214 = arith.constant 0 : i32
      %dma_wait3A_215 = tpu.memref_slice %arg4[%mul3A_207, %mul3A_209, %dma_wait3A_214] : memref<256x32x8192xf32, #tpu.memory_space<hbm>> -> memref<1x1x8192xf32, #tpu.memory_space<hbm>>
      %dma_wait3A_216 = tpu.memref_slice %run_scoped3A_11[%rem3A_205] : memref<2x!tpu.dma_semaphore, #tpu.memory_space<semaphore_mem>> -> memref<1x!tpu.dma_semaphore, #tpu.memory_space<semaphore_mem>>
      %dma_wait3A_217 = tpu.memref_squeeze %dma_wait3A_216 : memref<1x!tpu.dma_semaphore, #tpu.memory_space<semaphore_mem>> -> memref<!tpu.dma_semaphore, #tpu.memory_space<semaphore_mem>>
      %dma_wait3A_218 = arith.constant 0 : i32
      %dma_wait3A_219 = tpu.memref_slice %arg4[%mul3A_207, %mul3A_209, %dma_wait3A_218] : memref<256x32x8192xf32, #tpu.memory_space<hbm>> -> memref<1x1x8192xf32, #tpu.memory_space<hbm>>
      %dma_wait3A_220 = arith.constant 0 : i32
      %dma_wait3A_221 = arith.constant 0 : i32
      %dma_wait3A_222 = arith.constant 0 : i32
      %dma_wait3A_223 = tpu.memref_slice %run_scoped3A_10[%rem3A_205, %dma_wait3A_220, %dma_wait3A_221, %dma_wait3A_222] : memref<2x1x1x8192xf32, #tpu.memory_space<vmem>> -> memref<1x1x1x8192xf32, #tpu.memory_space<vmem>>
      %dma_wait3A_224 = tpu.memref_squeeze %dma_wait3A_223 : memref<1x1x1x8192xf32, #tpu.memory_space<vmem>> -> memref<1x1x8192xf32, #tpu.memory_space<vmem>>
      tpu.wait_dma2 semaphore(%dma_wait3A_217 : memref<!tpu.dma_semaphore, #tpu.memory_space<semaphore_mem>>) src(%dma_wait3A_224 : memref<1x1x8192xf32, #tpu.memory_space<vmem>>) dst(%dma_wait3A_219 : memref<1x1x8192xf32, #tpu.memory_space<hbm>>)
      "tpu.trace_stop"() : () -> ()
      tpu.yield
    }) : () -> ()
    return
  }
}

module attributes {stable_mosaic.version = 14 : i64} {
  func.func @_mask_kernel(%arg0: i32, %arg1: memref<1x32x128xf32, #tpu.memory_space<vmem>>, %arg2: memref<1x32x128xf32, #tpu.memory_space<vmem>>, %arg3: memref<1x32x128xf32, #tpu.memory_space<vmem>>) attributes {dimension_semantics = [#tpu.dimension_semantics<arbitrary>], iteration_bounds = array<i64: 256>, scalar_prefetch = 0 : i64, scratch_operands = 0 : i64, tpu.core_type = #tpu.core_type<tc>, window_params = [{transform_indices = @transform_0, window_bounds = array<i64: 1, 32, 128>}, {transform_indices = @transform_1, window_bounds = array<i64: 1, 32, 128>}, {transform_indices = @transform_2, window_bounds = array<i64: 1, 32, 128>}]} {
    %get3A = arith.constant 0 : index
    %get3A_0 = arith.constant 0 : index
    %get3A_1 = arith.constant 0 : index
    %get3A_2 = vector.load %arg1[%get3A, %get3A_0, %get3A_1] : memref<1x32x128xf32, #tpu.memory_space<vmem>>, vector<1x32x128xf32>
    %get3A_3 = vector.shape_cast %get3A_2 : vector<1x32x128xf32> to vector<32x128xf32>
    %bitcast3A = tpu.bitcast %get3A_3 : vector<32x128xf32> -> vector<32x128xi32>
    %mul3A = arith.constant 2 : i32
    %mul3A_4 = vector.broadcast %mul3A : i32 to vector<32x128xi32>
    %mul3A_5 = arith.muli %bitcast3A, %mul3A_4 : vector<32x128xi32>
    %iota3A = tpu.iota {dimensions = array<i32: 1>} : vector<1x128x128xi32>
    %iota3A_6 = tpu.iota {dimensions = array<i32: 2>} : vector<1x128x128xi32>
    %gt3A = arith.cmpi sgt, %iota3A, %iota3A_6 : vector<1x128x128xi32>
    %convert_element_type3A = arith.extui %gt3A : vector<1x128x128xi1> to vector<1x128x128xi32>
    %broadcast_in_dim3A = vector.shape_cast %mul3A_5 : vector<32x128xi32> to vector<32x128x1xi32>
    %add3A = vector.broadcast %broadcast_in_dim3A : vector<32x128x1xi32> to vector<32x128x128xi32>
    %add3A_7 = vector.broadcast %convert_element_type3A : vector<1x128x128xi32> to vector<32x128x128xi32>
    %add3A_8 = arith.addi %add3A, %add3A_7 : vector<32x128x128xi32>
    %broadcast_in_dim3A_9 = vector.shape_cast %mul3A_5 : vector<32x128xi32> to vector<32x1x128xi32>
    %gt3A_10 = vector.broadcast %broadcast_in_dim3A_9 : vector<32x1x128xi32> to vector<32x128x128xi32>
    %gt3A_11 = arith.cmpi sgt, %add3A_8, %gt3A_10 : vector<32x128x128xi32>
    %ne3A = arith.constant false
    %ne3A_12 = vector.broadcast %ne3A : i1 to vector<32x128x128xi1>
    %ne3A_13 = vector.broadcast %ne3A_12 : vector<32x128x128xi1> to vector<32x128x128xi1>
    %ne3A_14 = arith.xori %gt3A_11, %ne3A_13 : vector<32x128x128xi1>
    %convert_element_type3A_15 = arith.extui %ne3A_14 : vector<32x128x128xi1> to vector<32x128x128xi32>
    %reduce_sum3A = arith.constant dense<0> : vector<32x128xi32>
    %reduce_sum3A_16 = vector.multi_reduction <add>, %convert_element_type3A_15, %reduce_sum3A [1] : vector<32x128x128xi32> to vector<32x128xi32>
    %lt3A = arith.constant 52 : i32
    %lt3A_17 = vector.broadcast %lt3A : i32 to vector<32x128xi32>
    %lt3A_18 = arith.cmpi slt, %reduce_sum3A_16, %lt3A_17 : vector<32x128xi32>
    %convert_element_type3A_19 = arith.extui %lt3A_18 : vector<32x128xi1> to vector<32x128xi32>
    %convert_element_type3A_20 = arith.sitofp %convert_element_type3A_19 : vector<32x128xi32> to vector<32x128xf32>
    %swap3A = arith.constant 0 : index
    %swap3A_21 = arith.constant 0 : index
    %swap3A_22 = arith.constant 0 : index
    %swap3A_23 = vector.load %arg2[%swap3A, %swap3A_21, %swap3A_22] : memref<1x32x128xf32, #tpu.memory_space<vmem>>, vector<1x32x128xf32>
    %swap3A_24 = vector.shape_cast %swap3A_23 : vector<1x32x128xf32> to vector<32x128xf32>
    %swap3A_25 = vector.shape_cast %convert_element_type3A_20 : vector<32x128xf32> to vector<1x32x128xf32>
    tpu.vector_store %arg2[%swap3A, %swap3A_21, %swap3A_22], %swap3A_25 {strides = array<i32>} : memref<1x32x128xf32, #tpu.memory_space<vmem>>, vector<1x32x128xf32>,
    %jit3A = arith.constant 0.000000e+00 : f32
    %jit3A_26 = arith.constant 1.000000e+00 : f32
    %broadcast_in_dim3A_27 = vector.broadcast %jit3A : f32 to vector<32x128xf32>
    %broadcast_in_dim3A_28 = vector.broadcast %jit3A_26 : f32 to vector<32x128xf32>
    %select_n3A = arith.select %lt3A_18, %broadcast_in_dim3A_27, %broadcast_in_dim3A_28 : vector<32x128xi1>, vector<32x128xf32>
    %swap3A_29 = arith.constant 0 : index
    %swap3A_30 = arith.constant 0 : index
    %swap3A_31 = arith.constant 0 : index
    %swap3A_32 = vector.load %arg3[%swap3A_29, %swap3A_30, %swap3A_31] : memref<1x32x128xf32, #tpu.memory_space<vmem>>, vector<1x32x128xf32>
    %swap3A_33 = vector.shape_cast %swap3A_32 : vector<1x32x128xf32> to vector<32x128xf32>
    %swap3A_34 = vector.shape_cast %select_n3A : vector<32x128xf32> to vector<1x32x128xf32>
    tpu.vector_store %arg3[%swap3A_29, %swap3A_30, %swap3A_31], %swap3A_34 {strides = array<i32>} : memref<1x32x128xf32, #tpu.memory_space<vmem>>, vector<1x32x128xf32>,
    return
  }
  func.func @transform_0(%arg0: i32) -> (i32, i32, i32) {
    %c0_i32 = arith.constant 0 : i32
    %c0_i32_0 = arith.constant 0 : i32
    %c0_i32_1 = arith.constant 0 : i32
    return %arg0, %c0_i32, %c0_i32_0 : i32, i32, i32
  }
  func.func @transform_1(%arg0: i32) -> (i32, i32, i32) {
    %c0_i32 = arith.constant 0 : i32
    %c0_i32_0 = arith.constant 0 : i32
    %c0_i32_1 = arith.constant 0 : i32
    return %arg0, %c0_i32, %c0_i32_0 : i32, i32, i32
  }
  func.func @transform_2(%arg0: i32) -> (i32, i32, i32) {
    %c0_i32 = arith.constant 0 : i32
    %c0_i32_0 = arith.constant 0 : i32
    %c0_i32_1 = arith.constant 0 : i32
    return %arg0, %c0_i32, %c0_i32_0 : i32, i32, i32
  }
}

</mosaic_0001>

<sc_bundles>
// kernel: kernel.4.cloned.1.call-start
scs
__scs_entry_jumppad:
0x0: {  	(pc) =	sbr.rel $0x88, $3  }
0x1: {  	(tag) =	ssettag $0x0;
	lr =	simm.s32 $0x1  }
0x2: {  	[smem:$0x3F9F] =	sst lr;
	_ =	strace $0xD0000000  }
0x3: {  	_ = 	snop  }
0x4: {  	_ = 	snop  }
0x5: {  	_ = 	snop  }
0x6: {  	_ = 	snop  }
0x7: {  	_ = 	snop  }
__scs_overlays_trampoline_lowered:
0x8: {  	[smem:$0x3FAE] =	sst s0  }
0x9: {  	[smem:$0x3FAF] =	sst s1  }
0xa: {  	[smem:$0x3FB0] =	sst s2  }
0xb: {  	[smem:$0x3FB1] =	sst s3  }
0xc: {  	[smem:$0x3FB2] =	sst s4  }
0xd: {  	[smem:$0x3FB3] =	sst s5  }
0xe: {  	[smem:$0x3FB4] =	sst s6  }
0xf: {  	[smem:$0x3FB5] =	sst s7  }
0x10: {  	[smem:$0x3FB6] =	sst s8  }
0x11: {  	[smem:$0x3FB7] =	sst s9;
	s0 =	simm.s32 @!p0 $0x0  }
0x12: {  	s1 =	sld [smem:$0x3F9D];
	s0 =	simm.s32 @p0 $0x1  }
0x13: {  	[smem:$0x3FB8] =	sst s0;
	s0 =	simm.s32 @!p1 $0x0  }
0x14: {  	s2 =	sld [smem:$0x3F9C];
	s0 =	simm.s32 @p1 $0x1  }
0x15: {  	[smem:$0x3FB9] =	sst s0;
	s0 =	simm.s32 @!p2 $0x0  }
0x16: {  	s3 =	sld [smem:$0x3FDB];
	s0 =	simm.s32 @p2 $0x1  }
0x17: {  	s4 =	simm.s32 $0x1BF5;
	[smem:$0x3FBB] =	sst s0  }
0x18: {  	s0 =	sld [smem:$0x3F9E];
	_ =	swait.ge [sflag:s4], $0x0  }
0x19: {  	s7 =	sld [smem:$0x3F9F]  }
0x1a: {  	s8 =	sadd.s32 $0xFFFFE003, lr  }
0x1b: {  	s9 =	sadd.s32 $0xFFFFFEF7, lr;
	s5 =	simm.s32 $0xFFFFFFFF;
	p2 =	slt.u32 s8, $0xFFFFF086  }
0x1c: {  	p1 =	slt.u32 s9, $0xF7A;
	s5 =	simm.s32 @!p2 $0x0  }
0x1d: {  	s5 =	simm.s32 @p1 $0x1;
	p0 =	seq.s32 s7, s2  }
0x1e: {  	s7 =	smul.u32 @!p0 $0xF7A, s2;
	p2 =	seq.s32 @!p0 s5, $0x0  }
0x1f: {  	s9 =	smul.u32 $0xF7A, s1;
	s8 =	simm.s32 @!p0 $0x1BF5;
	p2 =	por !p2, p0  }
0x20: {  	[sflag:s8] =	ssyncset.s32 @!p0 $0xFFFFF086;
	s6 =	sadd.s32 @!p0 s3, s7;
	s7 =	simm.s32 @!p0 $0x108  }
0x21: {  	s3 =	sadd.s32 s3, s9;
	s6 =	sadd.s32 @!p0 $0x88, s6;
	s7 =	simm.s32 @p2 $0x1082  }
0x22: {  	[simem:s7], [sflag:s8] =	dma.local @!p0 [hbm:s6], $0xF7A  }
0x23: {  	s9 =	sor.u32 $0xD0000000, s2;
	s6 =	simm.s32 $0x108;
	_ =	swait.ge @!p0 [sflag:s8], $0x0  }
0x24: {  	s3 =	sadd.s32 $0x88, s3;
	s6 =	simm.s32 @!p1 $0x1082;
	[sflag:s4] =	ssyncset.s32 $0xFFFFF086  }
0x25: {  	[simem:s6], [sflag:s4] =	dma.local [hbm:s3], $0xF7A  }
0x26: {  	[smem:$0x3F9F] =	sst s1;
	(tag) =	ssettag s2;
	_ =	strace s9  }
0x27: {  	s1 =	sld [smem:$0x3FAF]  }
0x28: {  	s2 =	sld [smem:$0x3FB0]  }
0x29: {  	s4 =	sld [smem:$0x3FB2]  }
0x2a: {  	p0 =	seq.s32 s5, $0x0;
	s5 =	sld [smem:$0x3FB3]  }
0x2b: {  	s6 =	sld [smem:$0x3FB4]  }
0x2c: {  	s7 =	sld [smem:$0x3FB5]  }
0x2d: {  	s3 =	simm.s32 $0x108;
	s8 =	sld [smem:$0x3FB6]  }
0x2e: {  	s3 =	simm.s32 @!p0 $0x1082;
	s9 =	sld [smem:$0x3FB7]  }
0x2f: {  	lr =	sadd.s32 s0, s3;
	s0 =	sld [smem:$0x3FAE]  }
0x30: {  	s3 =	sld [smem:$0x3FB1]  }
0x31: {  	[smem:$0x3FBA] =	sst s10  }
0x32: {  	s10 =	sld [smem:$0x3FB8];
	_ =	sdelay $0x3  }
0x33: {  	p0 =	seq.s32 s10, $0x1;
	s10 =	sld [smem:$0x3FBA];
	_ =	sdelay $0x3  }
0x34: {  	[smem:$0x3FBA] =	sst s10  }
0x35: {  	s10 =	sld [smem:$0x3FB9];
	_ =	sdelay $0x3  }
0x36: {  	p1 =	seq.s32 s10, $0x1;
	s10 =	sld [smem:$0x3FBA];
	_ =	sdelay $0x3  }
0x37: {  	[smem:$0x3FBA] =	sst s10  }
0x38: {  	s10 =	sld [smem:$0x3FBB]  }
0x39: {  	_ = 	snop;
	(pc) =	sbr.ind lr, $3  }
0x3a: {  	_ = 	snop  }
0x3b: {  	_ = 	snop  }
0x3c: {  	p2 =	seq.s32 s10, $0x1;
	s10 =	sld [smem:$0x3FBA]  }
0x3d: {  	_ =	shalt  }
0x3e: {  	_ =	shalt  }
0x3f: {  	_ =	shalt  }
0x40: {  	_ =	shalt  }
0x41: {  	_ =	shalt  }
0x42: {  	_ =	shalt  }
0x43: {  	_ =	shalt  }
0x44: {  	_ =	shalt  }
0x45: {  	_ =	shalt  }
0x46: {  	_ =	shalt  }
0x47: {  	_ =	shalt  }
0x48: {  	_ =	shalt  }
0x49: {  	_ =	shalt  }
0x4a: {  	_ =	shalt  }
0x4b: {  	_ =	shalt  }
0x4c: {  	_ =	shalt  }
0x4d: {  	_ =	shalt  }
0x4e: {  	_ =	shalt  }
0x4f: {  	_ =	shalt  }
0x50: {  	_ =	shalt  }
0x51: {  	_ =	shalt  }
0x52: {  	_ =	shalt  }
0x53: {  	_ =	shalt  }
0x54: {  	_ =	shalt  }
0x55: {  	_ =	shalt  }
0x56: {  	_ =	shalt  }
0x57: {  	_ =	shalt  }
0x58: {  	_ =	shalt  }
0x59: {  	_ =	shalt  }
0x5a: {  	_ =	shalt  }
0x5b: {  	_ =	shalt  }
0x5c: {  	_ =	shalt  }
0x5d: {  	_ =	shalt  }
0x5e: {  	_ =	shalt  }
0x5f: {  	_ =	shalt  }
0x60: {  	_ =	shalt  }
0x61: {  	_ =	shalt  }
0x62: {  	_ =	shalt  }
0x63: {  	_ =	shalt  }
0x64: {  	_ =	shalt  }
0x65: {  	_ =	shalt  }
0x66: {  	_ =	shalt  }
0x67: {  	_ =	shalt  }
0x68: {  	_ =	shalt  }
0x69: {  	_ =	shalt  }
0x6a: {  	_ =	shalt  }
0x6b: {  	_ =	shalt  }
0x6c: {  	_ =	shalt  }
0x6d: {  	_ =	shalt  }
0x6e: {  	_ =	shalt  }
0x6f: {  	_ =	shalt  }
0x70: {  	_ =	shalt  }
0x71: {  	_ =	shalt  }
0x72: {  	_ =	shalt  }
0x73: {  	_ =	shalt  }
0x74: {  	_ =	shalt  }
0x75: {  	_ =	shalt  }
0x76: {  	_ =	shalt  }
0x77: {  	_ =	shalt  }
0x78: {  	_ =	shalt  }
0x79: {  	_ =	shalt  }
0x7a: {  	_ =	shalt  }
0x7b: {  	_ =	shalt  }
0x7c: {  	_ =	shalt  }
0x7d: {  	_ =	shalt  }
0x7e: {  	_ =	shalt  }
0x7f: {  	_ =	shalt  }
0x80: {  	_ =	shalt  }
0x81: {  	_ =	shalt  }
0x82: {  	_ =	shalt  }
0x83: {  	_ =	shalt  }
0x84: {  	_ =	shalt  }
0x85: {  	_ =	shalt  }
0x86: {  	_ =	shalt  }
0x87: {  	_ =	shalt  }
.Lfunc_end0:
.L_simem_size_0:
called_computation.1_lowered:
.L_overlay_start_0:
0x88: {  	s2 =	sld [smem:$0x3FD9]  }
0x89: {  	s3 =	sld [smem:$0x3FFE];
	_ =	sdelay $0x1  }
0x8a: {  	s1 =	srdreg.scid  }
0x8b: {  	s0 =	sand.u32 $0x1, s1  }
0x8c: {  	s14 =	sshll.u32 s0, $0xA;
	s2 =	sadd.s32 s3, s2  }
0x8d: {  	s2 =	sadd.s32 s2, s14  }
0x8e: {  	[smem:$0x3FC6] =	sst s2  }
0x8f: {  	_ = 	snop  }
0x90: {  	s2 =	sld [smem:$0x3FD0];
	_ =	sdelay $0x2  }
0x91: {  	s15 =	simm.s32 $0xA;
	s4 =	simm.s32 $0x10  }
0x92: {  	[smem:s4], [sflag:s15] =	dma.local [hbm:s2], $0x1  }
0x93: {  	_ =	swait.eq [sflag:s15], $0x1  }
0x94: {  	[sflag:s15] =	ssyncset.done $0x0  }
0x95: {  	[sflag:s15] =	ssyncadd.s32 $0xFFFFFFFF  }
0x96: {  	s16 =	sld [smem:$0x10];
	(tm) =	ssettm $0x1  }
0x97: {  	s17 =	sld [smem:$0x3FFB];
	_ =	sdelay $0x3  }
0x98: {  	_ =	strace s17  }
0x99: {  	s3 =	sld [smem:$0x3FFC];
	_ =	sdelay $0x3  }
0x9a: {  	_ =	strace s3  }
0x9b: {  	s3 =	sld [smem:$0x3FFD];
	_ =	sdelay $0x3  }
0x9c: {  	_ =	strace s3  }
0x9d: {  	_ =	strace $0x8FFFFFFF  }
0x9e: {  	s18 =	sld [smem:$0x3FDB];
	_ =	sdelay $0x1  }
0x9f: {  	s19 =	simm.s32 $_scs_section_size  }
0xa0: {  	s5 =	simm.s32 $_size__tile_overlayer_lowered;
	s6 =	simm.s32 $_tile_overlayer_lowered  }
0xa1: {  	s22 =	simm.s32 $0x1BFF;
	s21 =	sshll.u32 s6, $0x1;
	s3 =	sadd.s32 s19, s18  }
0xa2: {  	s7 =	simm.s32 $0x0;
	s20 =	sshll.u32 s5, $0x1;
	s5 =	sadd.s32 s21, s3  }
0xa3: {  	[timem:s7], [sflag:s22] =	dma.local [hbm:s5], s20  }
0xa4: {  	_ =	swait.ge [sflag:s22], s20  }
0xa5: {  	s4 =	ssub.s32 $0x0, s20;
	[sflag:s22] =	ssyncset.done $0x0  }
0xa6: {  	[sflag:s22] =	ssyncadd.s32 s4;
	_ =	sdelay $0x1  }
0xa7: {  	s23 =	simm.s32 $0x1B8B  }
0xa8: {  	_ =	swait.ge [sflag:s23], $0x1  }
0xa9: {  	[sflag:s23] =	ssyncset.done $0x0  }
0xaa: {  	s25 =	simm.s32 $0x1B8E;
	s24 =	sld [smem:$0x3FFE];
	[sflag:s23] =	ssyncadd.s32 $0xFFFFFFFF  }
0xab: {  	s26 =	simm.s32 $execute0_lowered;
	[smem:$0x3FD2] =	sst s25  }
0xac: {  	s5 =	sshll.u32 s26, $0x1;
	_ =	strace $0x80000046;
	[dreg:$0x1] =	wrdreg $0xFFFFFFFF  }
0xad: {  	s28 =	simm.s32 $_size_execute0_lowered;
	s3 =	sadd.s32 s3, s5;
	[dreg:$0x0] =	wrdreg $0x0  }
0xae: {  	s5 =	sshll.u32 s28, $0x1;
	[dreg:$0x2] =	wrdreg s3  }
0xaf: {  	[dreg:$0x3] =	wrdreg s5  }
0xb0: {  	[dreg:$0x4] =	wrdreg $0xC0  }
0xb1: {  	_ =	task [dreg:s7], $0x5FFFF  }
0xb2: {  	[dreg:$0x1] =	wrdreg $0xFFFFFFFF  }
0xb3: {  	[dreg:$0x0] =	wrdreg $0x60  }
0xb4: {  	[dreg:$0x2] =	wrdreg s24  }
0xb5: {  	[dreg:$0x3] =	wrdreg s16  }
0xb6: {  	[dreg:$0x4] =	wrdreg $0x9  }
0xb7: {  	_ =	task.clear_ibuf [dreg:s7], $0x5FFFF;
	_ =	strace $0x90000046  }
0xb8: {  	s29 =	simm.s32 $0x9;
	_ =	strace $0x80000051  }
0xb9: {  	_ =	swait.ge [sflag:s29], $0x1  }
0xba: {  	[sflag:s29] =	ssyncadd.s32 $0xFFFFFFFF  }
0xbb: {  	_ =	strace $0x90000051  }
0xbc: {  	_ =	sfence  }
0xbd: {  	s30 =	sld [smem:$0x0];
	_ =	sdelay $0x2  }
0xbe: {  	s31 =	sshll.u32 s1, $0xD;
	s1 =	sshrl.u32 s1, $0x2  }
0xbf: {  	s3 =	sand.u32 $0x4000, s31;
	s1 =	sadd.s32 s1, s30  }
0xc0: {  	s0 =	sor.u32 s3, s0;
	s1 =	sshll.u32 s1, $0x11  }
0xc1: {  	s0 =	sor.u32 s1, s0  }
0xc2: {  	s0 =	sadd.s32 $0x8F2B, s0  }
0xc3: {  	[sflag:s0] =	ssyncadd.remote.s32 $0x1  }
0xc4: {  	_ =	sfence.sel $0xFFFF  }
0xc5: {  	[dreg:$0x0] =	wrdreg $0xFFFFFFFF;
	(pc) =	sbr.abs _section_cstart, $3  }
0xc6: {  	[dreg:$0x1] =	wrdreg $0xFFFFFFFF  }
0xc7: {  	_ =	task.clear_ibuf [dreg:s7], $0x2FFFF;
	_ =	strace $0x9FFFFFFF  }
0xc8: {  	(tm) =	ssettm $0x7FFFFFFF  }
0xc9: {  	_ =	shalt  }
tec
execute0_lowered:
.L_overlay_start_1:
0x0: {  	(tag) =	ssettag $0x1  }
0x1: {  	s0 =	rddreg [dreg:$0x0];
	s1 =	simm.s32 $0x0;
	s26 =	srdreg.scid  }
0x2: {  	s4 =	stileid.u32;
	[smem:$0x7FF] =	sst s1;
	s1 =	sand.u32 $0x1, s26  }
0x3: {  	s5 =	sadd.s32 $0x1200, s0;
	s28 =	sadd.s32 $0x41200, s0;
	_ =	strace $0x80000047  }
0x4: {  	s2 =	ssub.s32 $0x2, s1;
	s1 =	sshll.u32 s1, $0x4;
	[dreg:$0x3] =	wrdreg s5  }
0x5: {  	[dreg:$0x4] =	wrdreg s28;
	s3 =	sshrl.u32 s2, $0x1;
	s1 =	sor.u32 s4, s1  }
0x6: {  	s29 =	ssub.s32 s2, s3;
	s30 =	sshll.u32 s1, $0xC;
	s31 =	sshll.u32 s1, $0x3  }
0x7: {  	s1 =	sshll.u32 s1, $0x12;
	[dreg:$0x5] =	wrdreg s31;
	s2 =	sadd.s32 s5, s30  }
0x8: {  	s1 =	sadd.s32 s28, s1;
	[dreg:$0x6] =	wrdreg s2  }
0x9: {  	s0 =	smax.u32 s29, $0x1;
	[dreg:$0x7] =	wrdreg s1  }
0xa: {  	[dreg:$0x8] =	wrdreg s0;
	s1 =	simm.s32 $0x0  }
.LBB2_1:
0xb: {  	[dreg:$0x9] =	wrdreg s1;
	s0 =	simm.s32 $0x0;
	s31 =	simm.s32 $0x80  }
0xc: {  	s2 =	simm.s32 $0x400;
	s3 =	simm.s32 $0x100;
	s1 =	simm.s32 $0x0  }
0xd: {  	s15 =	simm.s32 $0x0;
	s6 =	simm.s32 $0x0;
	_ =	strace $0x80000048  }
0xe: {  	s7 =	simm.s32 $0x0;
	s8 =	simm.s32 $0x1;
	s29 =	rddreg [dreg:$0x6]  }
0xf: {  	[tilespmem:s0], [sflag:$0x1] =	stream.linear.gather [hbm4b:s29+s0], $0x80, $0x200038;
	[tilespmem:$0x8100] =	vst v63  }
0x10: {  	s9 =	simm.s32 $0x0;
	s18 =	simm.s32 $0x1;
	s30 =	rddreg [dreg:$0x7]  }
0x11: {  	[tilespmem:s3], [sflag:$0x3] =	stream.strided.gather [hbm4b:s30+s31], $0x2000, s2, s31, $0x200038;
	[tilespmem:$0x8100] =	vst v63  }
0x12: {  	s20 =	simm.s32 $0x0;
	s2 =	simm.s32 $0x0;
	_ =	strace $0x90000048  }
.LBB2_2:
0x13: {  	s10 =	sadd.s32 $0x1, s1  }
0x14: {  	s0 =	simm.s32 $0x1;
	p0 =	seq.s32 s10, $0x20  }
0x15: {  	s0 =	simm.s32 @!p0 $0x0  }
0x16: {  	s0 =	sadd.s32 s0, s15  }
0x17: {  	p1 =	seq.s32 s0, $0x8  }
0x18: {  	s10 =	simm.s32 @p0 $0x0;
	s0 =	simm.s32 @p1 $0x0  }
0x19: {  	p6 =	sne.s32 s1, s10;
	p5 =	sne.s32 s15, s0  }
0x1a: {  	[dreg:$0x11] =	wrdreg s1;
	p1 =	seq.s32 s20, $0xFF;
	p0 =	por p6, p5  }
0x1b: {  	s21 =	rddreg [dreg:$0x5];
	p2 =	por !p0, p1  }
0x1c: {  	[dreg:$0xb] =	wrdreg s0;
	s0 =	sadd.s32 @!p2 s21, s0;
	s1 =	sshll.u32 @!p2 s10, $0x7  }
0x1d: {  	[dreg:$0xa] =	wrdreg s2;
	s2 =	sshll.u32 @!p2 s0, $0xC;
	s3 =	sand.u32 @!p2 $0xFFFFFC00, s1  }
0x1e: {  	s1 =	sand.u32 @!p2 $0x380, s1;
	s2 =	sadd.s32 @!p2 s3, s2  }
0x1f: {  	_ =	strace @!p2 $0x80000049;
	s3 =	sand.u32 @!p2 $0x1, s18;
	s2 =	sor.u32 @!p2 s1, s2  }
0x20: {  	s5 =	rddreg [dreg:$0x3];
	s4 =	sshll.u32 @!p2 s3, $0x7;
	s2 =	sshrl.u32 @!p2 s2, $0x3  }
0x21: {  	s3 =	sadd.s32 @!p2 $0x1, s3;
	s2 =	sadd.s32 @!p2 s5, s2;
	s5 =	simm.s32 @!p2 $0x0  }
0x22: {  	[tilespmem:s4], [sflag:s3] =	stream.linear.gather @!p2 [hbm4b:s2+s5], $0x80, $0x200038;
	[tilespmem:$0x8100] =	vst v63  }
0x23: {  	[dreg:$0x10] =	wrdreg s10;
	s0 =	sshll.u32 @!p2 s0, $0x12;
	s2 =	sshll.u32 @!p2 s10, $0xD  }
0x24: {  	s4 =	simm.s32 @!p2 $0x400;
	s2 =	sand.u32 @!p2 $0xFFFF0000, s2;
	_ =	strace @!p2 $0x90000049  }
0x25: {  	[dreg:$0xe] =	wrdreg s8;
	s0 =	sadd.s32 @!p2 s2, s0;
	s2 =	sand.u32 @!p2 $0x1, s8  }
0x26: {  	_ =	strace @!p2 $0x8000004A;
	s0 =	sor.u32 @!p2 s1, s0;
	s1 =	sshll.u32 @!p2 s2, $0xD  }
0x27: {  	s2 =	sadd.s32 @!p2 $0x3, s2;
	s3 =	rddreg [dreg:$0x4];
	s0 =	sshrl.u32 @!p2 s0, $0x3  }
0x28: {  	s1 =	sor.u32 @!p2 $0x100, s1;
	s0 =	sadd.s32 @!p2 s3, s0;
	s3 =	simm.s32 @!p2 $0x80  }
0x29: {  	[tilespmem:s1], [sflag:s2] =	stream.strided.gather @!p2 [hbm4b:s0+s3], $0x2000, s4, s3, $0x200038;
	[tilespmem:$0x8100] =	vst v63  }
0x2a: {  	s4 =	sand.u32 $0x1, s9;
	_ =	strace @!p2 $0x9000004A;
	[dreg:$0xf] =	wrdreg s9  }
0x2b: {  	s5 =	sadd.s32 $0x1, s4;
	_ =	strace $0x8000004B  }
0x2c: {  	_ =	swait.ge [sflag:s5], $0x80  }
0x2d: {  	[sflag:s5] =	ssyncset.done $0x0  }
0x2e: {  	[sflag:s5] =	ssyncadd.s32 $0xFFFFFF80  }
0x2f: {  	s8 =	sand.u32 $0x1, s7;
	_ =	strace $0x9000004B  }
0x30: {  	s9 =	sadd.s32 $0x3, s8;
	_ =	strace $0x8000004C  }
0x31: {  	_ =	swait.ge [sflag:s9], $0x2000  }
0x32: {  	[sflag:s9] =	ssyncset.done $0x0  }
0x33: {  	[sflag:s9] =	ssyncadd.s32 $0xFFFFE000  }
0x34: {  	s0 =	sshll.u32 s4, $0x7;
	_ =	strace $0x9000004C  }
0x35: {  	s4 =	sor.u32 $0x2, s0;
	_ =	strace $0x8000004D  }
0x36: {  	s10 =	sshll.u32 s8, $0xD;
	v0 =	vld.msk [tilespmem:s4+$0xFFFFFFFE], $0x1  }
0x37: {  	s26 =	sor.u32 $0x180, s10  }
0x38: {  	v1 =	vld [tilespmem:s26+$0xFFFFFF80];
	_ =	sdelay $0x2  }
0x39: {  	v0 =	vbroadcast v0, $0x0  }
0x3a: {  	s11 =	sand.u32 $0x1, s6  }
0x3b: {  	s0 =	sshll.u32 s11, $0xD;
	[dreg:$0xc] =	wrdreg s6;
	v1 =	vmul.f32 v0, v1  }
0x3c: {  	s24 =	sor.u32 $0x4180, s0;
	[dreg:$0x12] =	wrdreg s11  }
0x3d: {  	[tilespmem:s24+$0xFFFFFF80] =	vst v1  }
0x3e: {  	v1 =	vld [tilespmem:s26+$0xFFFFFF90];
	_ =	sdelay $0x4  }
0x3f: {  	v1 =	vmul.f32 v1, v0;
	_ =	sdelay $0x1  }
0x40: {  	[tilespmem:s24+$0xFFFFFF90] =	vst v1  }
0x41: {  	v1 =	vld [tilespmem:s26+$0xFFFFFFA0];
	_ =	sdelay $0x4  }
0x42: {  	v1 =	vmul.f32 v1, v0  }
0x43: {  	s10 =	sadd.s32 $0x4, s4  }
0x44: {  	v2 =	vld.msk [tilespmem:s10+$0xFFFFFFFE], $0x1;
	[tilespmem:s24+$0xFFFFFFA0] =	vst v1  }
0x45: {  	s29 =	sadd.s32 $0x100, s26;
	v1 =	vld [tilespmem:s26+$0xFFFFFFB0]  }
0x46: {  	v3 =	vld [tilespmem:s29+$0xFFFFFF80];
	_ =	sdelay $0x2  }
0x47: {  	v2 =	vbroadcast v2, $0x0  }
0x48: {  	v0 =	vmul.f32 v1, v0  }
0x49: {  	v1 =	vmul.f32 v2, v3  }
0x4a: {  	s28 =	sadd.s32 $0x100, s24;
	[tilespmem:s24+$0xFFFFFFB0] =	vst v0  }
0x4b: {  	[tilespmem:s28+$0xFFFFFF80] =	vst v1;
	v1 =	vld.msk [tilespmem:s4+$0xFFFFFFFF], $0x1  }
0x4c: {  	v3 =	vld [tilespmem:s29+$0xFFFFFF90];
	[dreg:$0xd] =	wrdreg s7  }
0x4d: {  	s12 =	sshll.u32 s7, $0xD;
	v4 =	vld [tilespmem:s26+$0xFFFFFFC0]  }
0x4e: {  	s1 =	sand.u32 $0x2000, s12  }
0x4f: {  	s1 =	sor.u32 $0x100, s1  }
0x50: {  	v0 =	vmov s1;
	v5 =	vbroadcast v1, $0x0  }
0x51: {  	v1 =	vmul.f32 v3, v2  }
0x52: {  	v3 =	vmul.f32 v5, v4  }
0x53: {  	s13 =	simm.s32 $0x40;
	[tilespmem:s28+$0xFFFFFF90] =	vst v1  }
0x54: {  	s14 =	sor.u32 $0x50, s13;
	v4 =	vld [tilespmem:s29+$0xFFFFFFA0];
	[tilespmem:s24+$0xFFFFFFC0] =	vst v3  }
0x55: {  	s2 =	sadd.s32 $0x4, s10;
	v3 =	vld.idx.msk [tilespmem:v0+s14+$0x0 ss:$0x1], $0xffff  }
0x56: {  	s0 =	sor.u32 $0x4100, s0;
	v6 =	vld.msk [tilespmem:s2+$0xFFFFFFFE], $0x1  }
0x57: {  	s31 =	sadd.s32 $0x100, s29;
	v1 =	vmov s0;
	[dreg:$0x13] =	wrdreg s0  }
0x58: {  	v7 =	vld [tilespmem:s31+$0xFFFFFF80]  }
0x59: {  	v4 =	vmul.f32 v4, v2  }
0x5a: {  	v3 =	vmul.f32 v3, v5  }
0x5b: {  	v6 =	vbroadcast v6, $0x0;
	[tilespmem:s28+$0xFFFFFFA0] =	vst v4  }
0x5c: {  	s16 =	sor.u32 $0x60, s13;
	v4 =	vld [tilespmem:s29+$0xFFFFFFB0];
	[tilespmem:v1+s14+$0x0 ss:$0x1] =	vst.idx.msk $0xffff, v3  }
0x5d: {  	v3 =	vmul.f32 v6, v7;
	v7 =	vld.idx.msk [tilespmem:v0+s16+$0x0 ss:$0x1], $0xffff  }
0x5e: {  	s30 =	sadd.s32 $0x100, s28  }
0x5f: {  	[tilespmem:s30+$0xFFFFFF80] =	vst v3  }
0x60: {  	v3 =	vld [tilespmem:s31+$0xFFFFFF90]  }
0x61: {  	s7 =	sadd.s32 $0x4, s2;
	v2 =	vmul.f32 v4, v2  }
0x62: {  	s3 =	sadd.s32 $0x100, s31;
	v4 =	vld.msk [tilespmem:s7+$0xFFFFFFFE], $0x1;
	v7 =	vmul.f32 v7, v5  }
0x63: {  	v8 =	vld [tilespmem:s3+$0xFFFFFF80];
	[tilespmem:s28+$0xFFFFFFB0] =	vst v2  }
0x64: {  	s1 =	sor.u32 $0x70, s13;
	v2 =	vld.msk [tilespmem:s10+$0xFFFFFFFF], $0x1;
	[tilespmem:v1+s16+$0x0 ss:$0x1] =	vst.idx.msk $0xffff, v7  }
0x65: {  	v3 =	vmul.f32 v3, v6;
	v7 =	vld.idx.msk [tilespmem:v0+s1+$0x0 ss:$0x1], $0xffff  }
0x66: {  	v9 =	vld [tilespmem:s29+$0xFFFFFFC0]  }
0x67: {  	[tilespmem:s30+$0xFFFFFF90] =	vst v3;
	v3 =	vbroadcast v4, $0x0  }
0x68: {  	v4 =	vld [tilespmem:s31+$0xFFFFFFA0]  }
0x69: {  	v8 =	vmul.f32 v3, v8;
	v2 =	vbroadcast v2, $0x0  }
0x6a: {  	s0 =	sadd.s32 $0x100, s30;
	v5 =	vmul.f32 v7, v5  }
0x6b: {  	[tilespmem:s0+$0xFFFFFF80] =	vst v8;
	v7 =	vmul.f32 v2, v9  }
0x6c: {  	s17 =	simm.s32 $0x140;
	v8 =	vld [tilespmem:s3+$0xFFFFFF90];
	[tilespmem:v1+s1+$0x0 ss:$0x1] =	vst.idx.msk $0xffff, v5  }
0x6d: {  	s19 =	sor.u32 $0x50, s17;
	v4 =	vmul.f32 v4, v6;
	[tilespmem:s28+$0xFFFFFFC0] =	vst v7;
	v5 =	vld.msk [tilespmem:s4+$0x0], $0x1  }
0x6e: {  	v7 =	vld.idx.msk [tilespmem:v0+s19+$0x0 ss:$0x1], $0xffff  }
0x6f: {  	[tilespmem:s30+$0xFFFFFFA0] =	vst v4;
	v4 =	vld [tilespmem:s26+$0x0]  }
0x70: {  	v9 =	vld [tilespmem:s31+$0xFFFFFFB0];
	_ =	sdelay $0x1  }
0x71: {  	s1 =	sadd.s32 $0x4, s7;
	v8 =	vmul.f32 v8, v3;
	v5 =	vbroadcast v5, $0x0  }
0x72: {  	s11 =	sadd.s32 $0x100, s3;
	v10 =	vld.msk [tilespmem:s1+$0xFFFFFFFE], $0x1;
	v7 =	vmul.f32 v7, v2  }
0x73: {  	v11 =	vld [tilespmem:s11+$0xFFFFFF80];
	[tilespmem:s0+$0xFFFFFF90] =	vst v8;
	v4 =	vmul.f32 v5, v4  }
0x74: {  	s22 =	sor.u32 $0x60, s17;
	v8 =	vld [tilespmem:s3+$0xFFFFFFA0];
	v6 =	vmul.f32 v9, v6;
	[tilespmem:v1+s19+$0x0 ss:$0x1] =	vst.idx.msk $0xffff, v7  }
0x75: {  	v7 =	vld.idx.msk [tilespmem:v0+s22+$0x0 ss:$0x1], $0xffff;
	[tilespmem:s24+$0x0] =	vst v4  }
0x76: {  	[tilespmem:s30+$0xFFFFFFB0] =	vst v6;
	v4 =	vld [tilespmem:s26+$0x10]  }
0x77: {  	v9 =	vbroadcast v10, $0x0;
	v6 =	vld.msk [tilespmem:s2+$0xFFFFFFFF], $0x1;
	_ =	sdelay $0x1  }
0x78: {  	v10 =	vld [tilespmem:s31+$0xFFFFFFC0];
	v11 =	vmul.f32 v9, v11  }
0x79: {  	s12 =	sadd.s32 $0x100, s0;
	v7 =	vmul.f32 v7, v2  }
0x7a: {  	[tilespmem:s12+$0xFFFFFF80] =	vst v11;
	v8 =	vmul.f32 v8, v3  }
0x7b: {  	s5 =	sor.u32 $0x70, s17;
	v4 =	vmul.f32 v4, v5;
	v11 =	vbroadcast v6, $0x0;
	v6 =	vld [tilespmem:s11+$0xFFFFFF90];
	[tilespmem:v1+s22+$0x0 ss:$0x1] =	vst.idx.msk $0xffff, v7  }
0x7c: {  	[tilespmem:s0+$0xFFFFFFA0] =	vst v8;
	v7 =	vld.idx.msk [tilespmem:v0+s5+$0x0 ss:$0x1], $0xffff  }
0x7d: {  	[tilespmem:s24+$0x10] =	vst v4;
	v4 =	vmul.f32 v11, v10;
	v10 =	vld [tilespmem:s3+$0xFFFFFFB0]  }
0x7e: {  	s13 =	simm.s32 $0x240;
	v8 =	vld [tilespmem:s26+$0x20]  }
0x7f: {  	s23 =	sor.u32 $0x50, s13;
	[tilespmem:s30+$0xFFFFFFC0] =	vst v4  }
0x80: {  	s8 =	sadd.s32 $0x100, s11;
	v4 =	vld.idx.msk [tilespmem:v0+s23+$0x0 ss:$0x1], $0xffff;
	v6 =	vmul.f32 v6, v9  }
0x81: {  	v12 =	vld [tilespmem:s8+$0xFFFFFF80];
	s6 =	sadd.s32 $0x4, s1;
	v2 =	vmul.f32 v7, v2  }
0x82: {  	v7 =	vld.msk [tilespmem:s6+$0xFFFFFFFE], $0x1;
	[tilespmem:s12+$0xFFFFFF90] =	vst v6;
	v3 =	vmul.f32 v10, v3  }
0x83: {  	v6 =	vmul.f32 v8, v5;
	v8 =	vld [tilespmem:s11+$0xFFFFFFA0];
	[tilespmem:v1+s5+$0x0 ss:$0x1] =	vst.idx.msk $0xffff, v2  }
0x84: {  	v2 =	vld.msk [tilespmem:s10+$0x0], $0x1;
	[tilespmem:s0+$0xFFFFFFB0] =	vst v3  }
0x85: {  	[tilespmem:s24+$0x20] =	vst v6;
	v3 =	vmul.f32 v4, v11;
	v4 =	vld.msk [tilespmem:s7+$0xFFFFFFFF], $0x1  }
0x86: {  	v10 =	vld [tilespmem:s26+$0x30]  }
0x87: {  	v6 =	vbroadcast v7, $0x0;
	v7 =	vld [tilespmem:s29+$0x0]  }
0x88: {  	s25 =	sor.u32 $0x60, s13;
	v13 =	vld [tilespmem:s3+$0xFFFFFFC0];
	[tilespmem:v1+s23+$0x0 ss:$0x1] =	vst.idx.msk $0xffff, v3  }
0x89: {  	v14 =	vld.idx.msk [tilespmem:v0+s25+$0x0 ss:$0x1], $0xffff;
	v12 =	vmul.f32 v6, v12  }
0x8a: {  	s9 =	sadd.s32 $0x100, s12;
	v8 =	vmul.f32 v8, v9;
	v3 =	vbroadcast v2, $0x0  }
0x8b: {  	[tilespmem:s9+$0xFFFFFF80] =	vst v12;
	v2 =	vmul.f32 v10, v5;
	v10 =	vld [tilespmem:s26+$0x40];
	v5 =	vbroadcast v4, $0x0  }
0x8c: {  	[tilespmem:s12+$0xFFFFFFA0] =	vst v8;
	v4 =	vld [tilespmem:s8+$0xFFFFFF90];
	v7 =	vmul.f32 v3, v7  }
0x8d: {  	[tilespmem:s24+$0x30] =	vst v2;
	v2 =	vmul.f32 v5, v13;
	v13 =	vld [tilespmem:s11+$0xFFFFFFB0]  }
0x8e: {  	s14 =	simm.s32 $0x340;
	v12 =	vmul.f32 v14, v11;
	[tilespmem:s28+$0x0] =	vst v7;
	v14 =	vld [tilespmem:s11+$0xFFFFFFC0]  }
0x8f: {  	s16 =	sor.u32 $0x50, s14;
	[tilespmem:s0+$0xFFFFFFC0] =	vst v2;
	v2 =	vld [tilespmem:s29+$0x10]  }
0x90: {  	s17 =	sor.u32 $0x70, s13;
	[tilespmem:v1+s25+$0x0 ss:$0x1] =	vst.idx.msk $0xffff, v12;
	v7 =	vld.idx.msk [tilespmem:v0+s16+$0x0 ss:$0x1], $0xffff  }
0x91: {  	v12 =	vld.idx.msk [tilespmem:v0+s17+$0x0 ss:$0x1], $0xffff  }
0x92: {  	s23 =	sadd.s32 $0x4, s6;
	v8 =	vld.msk [tilespmem:s4+$0x1], $0x1;
	v4 =	vmul.f32 v4, v6  }
0x93: {  	s4 =	sadd.s32 $0x100, s8;
	v9 =	vmul.f32 v13, v9;
	v13 =	vld.msk [tilespmem:s23+$0xFFFFFFFE], $0x1  }
0x94: {  	v15 =	vld [tilespmem:s4+$0xFFFFFF80];
	[tilespmem:s9+$0xFFFFFF90] =	vst v4;
	v2 =	vmul.f32 v2, v3  }
0x95: {  	[tilespmem:s12+$0xFFFFFFB0] =	vst v9;
	v4 =	vmul.f32 v7, v5;
	v7 =	vld [tilespmem:s8+$0xFFFFFFA0]  }
0x96: {  	v9 =	vld.msk [tilespmem:s1+$0xFFFFFFFF], $0x1;
	v11 =	vmul.f32 v12, v11;
	[tilespmem:s28+$0x10] =	vst v2  }
0x97: {  	s19 =	sor.u32 $0x60, s14;
	v2 =	vbroadcast v8, $0x0;
	[tilespmem:v1+s16+$0x0 ss:$0x1] =	vst.idx.msk $0xffff, v4;
	v16 =	vld [tilespmem:s29+$0x20]  }
0x98: {  	[tilespmem:v1+s17+$0x0 ss:$0x1] =	vst.idx.msk $0xffff, v11;
	v12 =	vbroadcast v13, $0x0;
	v17 =	vld.idx.msk [tilespmem:v0+s19+$0x0 ss:$0x1], $0xffff  }
0x99: {  	v8 =	vld.msk [tilespmem:s2+$0x0], $0x1;
	v10 =	vmul.f32 v2, v10  }
0x9a: {  	v4 =	vld [tilespmem:s29+$0x40];
	v13 =	vmul.f32 v12, v15  }
0x9b: {  	s25 =	sadd.s32 $0x100, s9;
	v11 =	vld [tilespmem:s8+$0xFFFFFFC0];
	v9 =	vbroadcast v9, $0x0;
	[tilespmem:s24+$0x40] =	vst v10;
	v10 =	vmul.f32 v7, v6  }
0x9c: {  	v15 =	vld [tilespmem:s31+$0x0];
	[tilespmem:s25+$0xFFFFFF80] =	vst v13;
	v18 =	vmul.f32 v16, v3  }
0x9d: {  	v13 =	vld [tilespmem:s26+$0x50];
	v14 =	vmul.f32 v9, v14;
	[tilespmem:s9+$0xFFFFFFA0] =	vst v10  }
0x9e: {  	s13 =	sadd.s32 @!p2 $0x1, s18;
	v16 =	vld [tilespmem:s4+$0xFFFFFF90];
	v7 =	vbroadcast v8, $0x0;
	v8 =	vmul.f32 v17, v5;
	[tilespmem:s28+$0x20] =	vst v18  }
0x9f: {  	s13 =	smov.u32 @p2 s18;
	s16 =	simm.s32 $0x440;
	v17 =	vld [tilespmem:s8+$0xFFFFFFB0];
	[tilespmem:s12+$0xFFFFFFC0] =	vst v14  }
0xa0: {  	s13 =	smov.u32 @p1 s18;
	s17 =	sor.u32 $0x50, s16;
	v10 =	vld [tilespmem:s29+$0x30];
	[tilespmem:v1+s19+$0x0 ss:$0x1] =	vst.idx.msk $0xffff, v8  }
0xa1: {  	s22 =	sadd.s32 s21, s15;
	s5 =	simm.s32 @!p2 $0x1;
	v18 =	vmul.f32 v7, v15;
	v15 =	vld.idx.msk [tilespmem:v0+s17+$0x0 ss:$0x1], $0xffff;
	[dreg:$0x14] =	wrdreg s13  }
0xa2: {  	s5 =	simm.s32 @p2 $0x0;
	s19 =	sor.u32 $0x70, s14;
	[dreg:$0x15] =	wrdreg s22  }
0xa3: {  	s5 =	simm.s32 @p1 $0x0;
	s15 =	smov.u32 s23;
	v8 =	vmul.f32 v13, v2;
	v14 =	vld.idx.msk [tilespmem:v0+s19+$0x0 ss:$0x1], $0xffff;
	[tilespmem:s30+$0x0] =	vst v18  }
0xa4: {  	s18 =	smov.u32 s25;
	s14 =	simm.s32 $0x18;
	s22 =	sadd.s32 $0x100, s4;
	v13 =	vld [tilespmem:s31+$0x10]  }
.LBB2_3:
0xa5: {  	v18 =	vld [tilespmem:s22+$0xFFFFFF80];
	v10 =	vmul.f32 v10, v3;
	[tilespmem:s24+$0x50] =	vst v8;
	v3 =	vmov v7;
	s21 =	smov.u32 s16  }
0xa6: {  	v7 =	vmul.f32 v16, v12;
	s23 =	sadd.s32 $0x4, s23;
	v8 =	vld [tilespmem:s26+$0x60]  }
0xa7: {  	v17 =	vmul.f32 v17, v6;
	v6 =	vmov v12;
	v16 =	vld.msk [tilespmem:s23+$0xFFFFFFFE], $0x1;
	[tilespmem:s28+$0x30] =	vst v10  }
0xa8: {  	[tilespmem:s25+$0xFFFFFF90] =	vst v7;
	v7 =	vmul.f32 v15, v9;
	v10 =	vld.msk [tilespmem:s10+$0x1], $0x1;
	s10 =	smov.u32 s2;
	s2 =	smov.u32 s7;
	s7 =	smov.u32 s1  }
0xa9: {  	s1 =	smov.u32 s6;
	s6 =	smov.u32 s15;
	s15 =	smov.u32 s23;
	v15 =	vld [tilespmem:s4+$0xFFFFFFA0];
	[tilespmem:s9+$0xFFFFFFB0] =	vst v17;
	v12 =	vmul.f32 v13, v3  }
0xaa: {  	s13 =	sor.u32 $0x60, s16;
	v13 =	vld.msk [tilespmem:s1+$0xFFFFFFFF], $0x1;
	[tilespmem:v1+s17+$0x0 ss:$0x1] =	vst.idx.msk $0xffff, v7;
	v7 =	vmul.f32 v14, v5;
	v5 =	vmov v9  }
0xab: {  	v14 =	vld.idx.msk [tilespmem:v0+s13+$0x0 ss:$0x1], $0xffff;
	[tilespmem:s30+$0x10] =	vst v12;
	v8 =	vmul.f32 v8, v2  }
0xac: {  	v12 =	vbroadcast v16, $0x0;
	[tilespmem:v1+s19+$0x0 ss:$0x1] =	vst.idx.msk $0xffff, v7;
	v7 =	vld [tilespmem:s31+$0x20]  }
0xad: {  	v17 =	vld.msk [tilespmem:s2+$0x0], $0x1;
	v10 =	vbroadcast v10, $0x0;
	[tilespmem:s24+$0x60] =	vst v8  }
0xae: {  	v8 =	vmul.f32 v12, v18;
	v18 =	vld [tilespmem:s26+$0x70];
	s26 =	smov.u32 s29;
	s29 =	smov.u32 s31;
	s31 =	smov.u32 s3  }
0xaf: {  	s25 =	sadd.s32 $0x100, s25;
	s3 =	smov.u32 s11;
	s11 =	smov.u32 s8;
	v16 =	vmul.f32 v10, v4;
	v4 =	vld [tilespmem:s29+$0x40]  }
0xb0: {  	s8 =	smov.u32 s4;
	s4 =	smov.u32 s22;
	v9 =	vbroadcast v13, $0x0;
	[tilespmem:s25+$0xFFFFFF80] =	vst v8;
	v8 =	vmul.f32 v15, v6;
	v13 =	vld [tilespmem:s31+$0x0]  }
0xb1: {  	v19 =	vld [tilespmem:s8+$0xFFFFFFC0];
	v15 =	vmul.f32 v7, v3;
	[tilespmem:s28+$0x40] =	vst v16  }
0xb2: {  	s14 =	sadd.s32 $0x4, s14;
	[tilespmem:s18+$0xFFFFFFA0] =	vst v8;
	v8 =	vmul.f32 v9, v11;
	v20 =	vld [tilespmem:s26+$0x50]  }
0xb3: {  	p2 =	slt.u32 s14, $0x7C;
	v7 =	vbroadcast v17, $0x0;
	v16 =	vld [tilespmem:s22+$0xFFFFFF90];
	[tilespmem:s30+$0x20] =	vst v15;
	v18 =	vmul.f32 v18, v2;
	v2 =	vmov v10  }
.Ltmp0:
0xb4: {  	s16 =	sadd.s32 $0x100, s16;
	[tilespmem:s9+$0xFFFFFFC0] =	vst v8;
	v8 =	vmul.f32 v14, v5;
	v10 =	vld [tilespmem:s29+$0x30];
	(pc) =	sbr.rel @p2 .LBB2_3-.Ltmp0, $4  }
0xb5: {  	s17 =	sor.u32 $0x50, s16;
	v17 =	vld [tilespmem:s8+$0xFFFFFFB0];
	v13 =	vmul.f32 v7, v13;
	[tilespmem:s24+$0x70] =	vst v18;
	s24 =	smov.u32 s28;
	s28 =	smov.u32 s30  }
0xb6: {  	s19 =	sor.u32 $0x70, s21;
	s30 =	smov.u32 s0;
	s0 =	smov.u32 s12;
	v15 =	vld.idx.msk [tilespmem:v0+s17+$0x0 ss:$0x1], $0xffff;
	[tilespmem:v1+s13+$0x0 ss:$0x1] =	vst.idx.msk $0xffff, v8;
	v11 =	vmov v19  }
0xb7: {  	s12 =	smov.u32 s9;
	s9 =	smov.u32 s18;
	v14 =	vld.idx.msk [tilespmem:v0+s19+$0x0 ss:$0x1], $0xffff;
	[tilespmem:s30+$0x0] =	vst v13;
	v8 =	vmul.f32 v20, v2  }
0xb8: {  	s22 =	sadd.s32 $0x100, s22;
	s18 =	smov.u32 s25;
	v13 =	vld [tilespmem:s31+$0x10]  }
0xb9: {  	v16 =	vmul.f32 v16, v12;
	_ =	sdelay $0x1  }
0xba: {  	[tilespmem:s25+$0xFFFFFF90] =	vst v16  }
0xbb: {  	v16 =	vld [tilespmem:s4+$0xFFFFFFA0];
	_ =	sdelay $0x4  }
0xbc: {  	v16 =	vmul.f32 v16, v12;
	_ =	sdelay $0x1  }
0xbd: {  	[tilespmem:s18+$0xFFFFFFA0] =	vst v16  }
0xbe: {  	v16 =	vld [tilespmem:s4+$0xFFFFFFB0];
	_ =	sdelay $0x3  }
0xbf: {  	v6 =	vmul.f32 v17, v6  }
0xc0: {  	v53 =	vmul.f32 v16, v12  }
0xc1: {  	[tilespmem:s9+$0xFFFFFFB0] =	vst v6  }
0xc2: {  	v6 =	vld.msk [tilespmem:s6+$0xFFFFFFFF], $0x1;
	[tilespmem:s18+$0xFFFFFFB0] =	vst v53  }
0xc3: {  	v12 =	vld.msk [tilespmem:s15+$0xFFFFFFFF], $0x1;
	_ =	sdelay $0x1  }
0xc4: {  	v54 =	vld [tilespmem:s4+$0xFFFFFFC0];
	_ =	sdelay $0x1  }
0xc5: {  	v6 =	vbroadcast v6, $0x0  }
0xc6: {  	v12 =	vbroadcast v12, $0x0  }
0xc7: {  	v11 =	vmul.f32 v6, v11  }
0xc8: {  	s13 =	sadd.s32 $0x100, s16;
	v16 =	vmul.f32 v12, v54  }
0xc9: {  	s14 =	sor.u32 $0x50, s13;
	s21 =	sadd.s32 $0x100, s13;
	[tilespmem:s9+$0xFFFFFFC0] =	vst v11  }
0xca: {  	s22 =	sor.u32 $0x50, s21;
	v11 =	vld.idx.msk [tilespmem:v0+s14+$0x0 ss:$0x1], $0xffff;
	[tilespmem:s18+$0xFFFFFFC0] =	vst v16  }
0xcb: {  	v16 =	vld.idx.msk [tilespmem:v0+s22+$0x0 ss:$0x1], $0xffff  }
0xcc: {  	v15 =	vmul.f32 v15, v9;
	_ =	sdelay $0x1  }
0xcd: {  	s23 =	sor.u32 $0x60, s16;
	[tilespmem:v1+s17+$0x0 ss:$0x1] =	vst.idx.msk $0xffff, v15  }
0xce: {  	v15 =	vld.idx.msk [tilespmem:v0+s23+$0x0 ss:$0x1], $0xffff;
	v11 =	vmul.f32 v11, v6  }
0xcf: {  	v16 =	vmul.f32 v16, v12  }
0xd0: {  	[tilespmem:v1+s14+$0x0 ss:$0x1] =	vst.idx.msk $0xffff, v11;
	s14 =	sor.u32 $0x60, s13  }
0xd1: {  	s25 =	sor.u32 $0x60, s21;
	v11 =	vld.idx.msk [tilespmem:v0+s14+$0x0 ss:$0x1], $0xffff;
	[tilespmem:v1+s22+$0x0 ss:$0x1] =	vst.idx.msk $0xffff, v16  }
0xd2: {  	v16 =	vld.idx.msk [tilespmem:v0+s25+$0x0 ss:$0x1], $0xffff  }
0xd3: {  	v15 =	vmul.f32 v15, v9;
	_ =	sdelay $0x1  }
0xd4: {  	[tilespmem:v1+s23+$0x0 ss:$0x1] =	vst.idx.msk $0xffff, v15;
	s23 =	sor.u32 $0x70, s16  }
0xd5: {  	v15 =	vld.idx.msk [tilespmem:v0+s23+$0x0 ss:$0x1], $0xffff;
	v11 =	vmul.f32 v11, v6  }
0xd6: {  	v16 =	vmul.f32 v16, v12  }
0xd7: {  	s13 =	sor.u32 $0x70, s13;
	[tilespmem:v1+s14+$0x0 ss:$0x1] =	vst.idx.msk $0xffff, v11  }
0xd8: {  	v11 =	vld.idx.msk [tilespmem:v0+s13+$0x0 ss:$0x1], $0xffff;
	[tilespmem:v1+s25+$0x0 ss:$0x1] =	vst.idx.msk $0xffff, v16;
	s25 =	sor.u32 $0x70, s21  }
0xd9: {  	v5 =	vmul.f32 v14, v5;
	v55 =	vld.idx.msk [tilespmem:v0+s25+$0x0 ss:$0x1], $0xffff  }
0xda: {  	v56 =	vmul.f32 v15, v9  }
0xdb: {  	[tilespmem:v1+s19+$0x0 ss:$0x1] =	vst.idx.msk $0xffff, v5  }
0xdc: {  	v57 =	vld.msk [tilespmem:s7+$0x0], $0x1;
	[tilespmem:v1+s23+$0x0 ss:$0x1] =	vst.idx.msk $0xffff, v56  }
0xdd: {  	v59 =	vld.msk [tilespmem:s1+$0x0], $0x1;
	v6 =	vmul.f32 v11, v6  }
0xde: {  	v58 =	vld [tilespmem:s3+$0x0];
	v0 =	vmul.f32 v55, v12  }
0xdf: {  	v60 =	vld [tilespmem:s11+$0x0];
	[tilespmem:v1+s13+$0x0 ss:$0x1] =	vst.idx.msk $0xffff, v6  }
0xe0: {  	v61 =	vld.msk [tilespmem:s6+$0x0], $0x1;
	[tilespmem:v1+s25+$0x0 ss:$0x1] =	vst.idx.msk $0xffff, v0  }
0xe1: {  	v9 =	vbroadcast v57, $0x0;
	v1 =	vld.msk [tilespmem:s15+$0x0], $0x1  }
0xe2: {  	v62 =	vld [tilespmem:s8+$0x0];
	v11 =	vbroadcast v59, $0x0  }
0xe3: {  	v63 =	vld [tilespmem:s4+$0x0];
	v5 =	vmul.f32 v9, v58  }
0xe4: {  	v6 =	vmul.f32 v11, v60  }
0xe5: {  	[tilespmem:s0+$0x0] =	vst v5;
	v0 =	vbroadcast v61, $0x0  }
0xe6: {  	v17 =	vld [tilespmem:s3+$0x10];
	[tilespmem:s12+$0x0] =	vst v6;
	v1 =	vbroadcast v1, $0x0  }
0xe7: {  	v19 =	vld [tilespmem:s11+$0x10];
	v16 =	vmul.f32 v0, v62  }
0xe8: {  	v18 =	vmul.f32 v1, v63  }
0xe9: {  	[tilespmem:s9+$0x0] =	vst v16  }
0xea: {  	v5 =	vld [tilespmem:s8+$0x10];
	[tilespmem:s18+$0x0] =	vst v18  }
0xeb: {  	v12 =	vmul.f32 v17, v9;
	v6 =	vld [tilespmem:s4+$0x10]  }
0xec: {  	v20 =	vmul.f32 v19, v11  }
0xed: {  	v13 =	vmul.f32 v13, v7;
	[tilespmem:s0+$0x10] =	vst v12  }
0xee: {  	[tilespmem:s12+$0x10] =	vst v20;
	v12 =	vld [tilespmem:s3+$0x20]  }
0xef: {  	[tilespmem:s30+$0x10] =	vst v13;
	v13 =	vld [tilespmem:s11+$0x20];
	v5 =	vmul.f32 v5, v0  }
0xf0: {  	v21 =	vld [tilespmem:s31+$0x20];
	v6 =	vmul.f32 v6, v1  }
0xf1: {  	[tilespmem:s9+$0x10] =	vst v5  }
0xf2: {  	v5 =	vld [tilespmem:s8+$0x20];
	[tilespmem:s18+$0x10] =	vst v6  }
0xf3: {  	v12 =	vmul.f32 v12, v9;
	v6 =	vld [tilespmem:s4+$0x20]  }
0xf4: {  	v13 =	vmul.f32 v13, v11  }
0xf5: {  	v14 =	vmul.f32 v21, v7;
	[tilespmem:s0+$0x20] =	vst v12  }
0xf6: {  	[tilespmem:s12+$0x20] =	vst v13;
	v12 =	vld [tilespmem:s3+$0x30]  }
0xf7: {  	[tilespmem:s30+$0x20] =	vst v14;
	v13 =	vld [tilespmem:s11+$0x30];
	v5 =	vmul.f32 v5, v0  }
0xf8: {  	v14 =	vld [tilespmem:s31+$0x30];
	v6 =	vmul.f32 v6, v1  }
0xf9: {  	v28 =	vld [tilespmem:s31+$0x40];
	[tilespmem:s9+$0x20] =	vst v5  }
0xfa: {  	v3 =	vmul.f32 v10, v3;
	v5 =	vld [tilespmem:s8+$0x30];
	[tilespmem:s18+$0x20] =	vst v6  }
0xfb: {  	v23 =	vmul.f32 v12, v9;
	v6 =	vld [tilespmem:s4+$0x30]  }
0xfc: {  	v29 =	vld [tilespmem:s3+$0x40];
	[tilespmem:s28+$0x30] =	vst v3;
	v25 =	vmul.f32 v13, v11  }
0xfd: {  	v30 =	vld [tilespmem:s11+$0x40];
	v22 =	vmul.f32 v14, v7;
	[tilespmem:s0+$0x30] =	vst v23  }
0xfe: {  	[tilespmem:s12+$0x30] =	vst v25;
	v3 =	vld.msk [tilespmem:s7+$0x1], $0x1  }
0xff: {  	[tilespmem:s30+$0x30] =	vst v22;
	v27 =	vld.msk [tilespmem:s1+$0x1], $0x1;
	v0 =	vmul.f32 v5, v0  }
0x100: {  	v26 =	vld.msk [tilespmem:s2+$0x1], $0x1;
	v1 =	vmul.f32 v6, v1  }
0x101: {  	v24 =	vld.msk [tilespmem:s10+$0x1], $0x1;
	[tilespmem:s9+$0x30] =	vst v0  }
0x102: {  	v0 =	vld.msk [tilespmem:s6+$0x1], $0x1;
	[tilespmem:s18+$0x30] =	vst v1  }
0x103: {  	v3 =	vbroadcast v3, $0x0;
	v1 =	vld.msk [tilespmem:s15+$0x1], $0x1  }
0x104: {  	v31 =	vld [tilespmem:s8+$0x40];
	v5 =	vbroadcast v27, $0x0  }
0x105: {  	v32 =	vld [tilespmem:s4+$0x40];
	v10 =	vbroadcast v26, $0x0;
	v33 =	vmul.f32 v3, v29  }
0x106: {  	v9 =	vbroadcast v24, $0x0;
	v35 =	vmul.f32 v5, v30  }
0x107: {  	[tilespmem:s0+$0x40] =	vst v33;
	v6 =	vmul.f32 v10, v28;
	v0 =	vbroadcast v0, $0x0  }
0x108: {  	v4 =	vmul.f32 v9, v4;
	v38 =	vld [tilespmem:s3+$0x50];
	[tilespmem:s12+$0x40] =	vst v35;
	v1 =	vbroadcast v1, $0x0  }
0x109: {  	v40 =	vld [tilespmem:s11+$0x50];
	[tilespmem:s30+$0x40] =	vst v6;
	v37 =	vmul.f32 v0, v31  }
0x10a: {  	[tilespmem:s28+$0x40] =	vst v4;
	v36 =	vld [tilespmem:s31+$0x50];
	v39 =	vmul.f32 v1, v32  }
0x10b: {  	v34 =	vld [tilespmem:s29+$0x50];
	[tilespmem:s9+$0x40] =	vst v37  }
0x10c: {  	v4 =	vld [tilespmem:s8+$0x50];
	[tilespmem:s18+$0x40] =	vst v39  }
0x10d: {  	v45 =	vmul.f32 v38, v3;
	v42 =	vld [tilespmem:s4+$0x50]  }
0x10e: {  	[tilespmem:s24+$0x50] =	vst v8;
	v47 =	vmul.f32 v40, v5  }
0x10f: {  	v44 =	vld [tilespmem:s26+$0x60];
	[tilespmem:s0+$0x50] =	vst v45;
	v43 =	vmul.f32 v36, v10  }
0x110: {  	v41 =	vmul.f32 v34, v9;
	v6 =	vld [tilespmem:s3+$0x60];
	[tilespmem:s12+$0x50] =	vst v47  }
0x111: {  	v8 =	vld [tilespmem:s11+$0x60];
	[tilespmem:s30+$0x50] =	vst v43;
	v4 =	vmul.f32 v4, v0  }
0x112: {  	[tilespmem:s28+$0x50] =	vst v41;
	v48 =	vld [tilespmem:s31+$0x60];
	v7 =	vmul.f32 v42, v1  }
0x113: {  	v46 =	vld [tilespmem:s29+$0x60];
	[tilespmem:s9+$0x50] =	vst v4  }
0x114: {  	v49 =	vmul.f32 v44, v2;
	v50 =	vld [tilespmem:s8+$0x60];
	[tilespmem:s18+$0x50] =	vst v7  }
0x115: {  	v6 =	vmul.f32 v6, v3;
	v52 =	vld [tilespmem:s4+$0x60]  }
0x116: {  	[tilespmem:s24+$0x60] =	vst v49;
	v55 =	vmul.f32 v8, v5  }
0x117: {  	v54 =	vld [tilespmem:s26+$0x70];
	[tilespmem:s0+$0x60] =	vst v6;
	v53 =	vmul.f32 v48, v10  }
0x118: {  	v51 =	vmul.f32 v46, v9;
	v58 =	vld [tilespmem:s3+$0x70];
	[tilespmem:s12+$0x60] =	vst v55  }
0x119: {  	v60 =	vld [tilespmem:s11+$0x70];
	[tilespmem:s30+$0x60] =	vst v53;
	v57 =	vmul.f32 v50, v0  }
0x11a: {  	[tilespmem:s28+$0x60] =	vst v51;
	v56 =	vld [tilespmem:s31+$0x70];
	v59 =	vmul.f32 v52, v1  }
0x11b: {  	v7 =	vld [tilespmem:s29+$0x70];
	[tilespmem:s9+$0x60] =	vst v57  }
0x11c: {  	v61 =	vmul.f32 v54, v2;
	v6 =	vld [tilespmem:s8+$0x70];
	[tilespmem:s18+$0x60] =	vst v59  }
0x11d: {  	v3 =	vmul.f32 v58, v3;
	v4 =	vld [tilespmem:s4+$0x70]  }
0x11e: {  	[tilespmem:s24+$0x70] =	vst v61;
	v63 =	vmul.f32 v60, v5  }
0x11f: {  	[tilespmem:s0+$0x70] =	vst v3;
	v62 =	vmul.f32 v56, v10  }
0x120: {  	[tilespmem:s12+$0x70] =	vst v63;
	v7 =	vmul.f32 v7, v9  }
0x121: {  	[tilespmem:s30+$0x70] =	vst v62;
	v0 =	vmul.f32 v6, v0  }
0x122: {  	[tilespmem:s28+$0x70] =	vst v7;
	v1 =	vmul.f32 v4, v1  }
0x123: {  	p0 =	por p1, p0;
	s2 =	rddreg [dreg:$0x11];
	[tilespmem:s9+$0x70] =	vst v0  }
0x124: {  	s0 =	sshll.u32 @p0 s2, $0xD;
	s2 =	sshll.u32 @p0 s2, $0x7;
	s1 =	rddreg [dreg:$0x15];
	[tilespmem:s18+$0x70] =	vst v1  }
0x125: {  	s0 =	sand.u32 @p0 $0xFFFF0000, s0;
	s1 =	sshll.u32 @p0 s1, $0x12;
	_ =	strace $0x9000004D  }
0x126: {  	s0 =	sadd.s32 @p0 s1, s0;
	s1 =	sand.u32 @p0 $0x380, s2;
	_ =	strace @p0 $0x8000004E  }
0x127: {  	s0 =	sor.u32 @p0 s1, s0;
	s1 =	rddreg [dreg:$0x12]  }
0x128: {  	s2 =	rddreg [dreg:$0x1]  }
0x129: {  	s3 =	simm.s32 @p0 $0x400;
	s0 =	sshrl.u32 @p0 s0, $0x3;
	s4 =	rddreg [dreg:$0x13]  }
0x12a: {  	s1 =	sadd.s32 @p0 $0x5, s1;
	s0 =	sadd.s32 @p0 s2, s0;
	s2 =	simm.s32 @p0 $0x80  }
0x12b: {  	[hbm4b:s0+s2] =	stream.strided.scatter @p0 [tilespmem:s4], [sflag:s1], $0x2000, s3, s2, $0x200038;
	[tilespmem:$0x8100] =	vst v63  }
0x12c: {  	_ =	strace @p0 $0x9000004E  }
0x12d: {  	p1 =	seq.s32 s20, $0x0;
	s2 =	rddreg [dreg:$0xa]  }
0x12e: {  	s0 =	sand.u32 @!p1 $0x1, s2  }
0x12f: {  	_ =	strace @!p1 $0x8000004F;
	s0 =	sadd.s32 @!p1 $0x5, s0  }
0x130: {  	_ =	swait.ge @!p1 [sflag:s0], $0x2000  }
0x131: {  	p2 =	sne.s32 s20, $0x0;
	s1 =	simm.s32 $0x1;
	s28 =	rddreg [dreg:$0xe]  }
0x132: {  	s20 =	sadd.s32 $0x1, s20;
	s1 =	simm.s32 @!p0 $0x0;
	s29 =	rddreg [dreg:$0xc]  }
0x133: {  	p0 =	sne.s32 s20, $0x100;
	[sflag:s0] =	ssyncset.done @!p1 $0x0;
	s30 =	rddreg [dreg:$0xf]  }
.Ltmp1:
0x134: {  	s31 =	rddreg [dreg:$0xd];
	[sflag:s0] =	ssyncadd.s32 @!p1 $0xFFFFE000;
	(pc) =	sbr.rel @p0 .LBB2_2-.Ltmp1, $4  }
0x135: {  	s0 =	simm.s32 $0x1;
	s6 =	sadd.s32 s1, s29;
	_ =	strace @!p1 $0x9000004F  }
0x136: {  	s9 =	sadd.s32 s1, s30;
	s7 =	sadd.s32 s1, s31;
	s1 =	rddreg [dreg:$0x10]  }
0x137: {  	s0 =	simm.s32 @!p2 $0x0;
	s15 =	rddreg [dreg:$0xb]  }
0x138: {  	s8 =	sadd.s32 s28, s5;
	s2 =	sadd.s32 s0, s2;
	s18 =	rddreg [dreg:$0x14]  }
0x139: {  	s0 =	sand.u32 $0x1, s2  }
0x13a: {  	_ =	strace $0x80000050;
	s0 =	sadd.s32 $0x5, s0  }
0x13b: {  	_ =	swait.ge [sflag:s0], $0x2000  }
0x13c: {  	s1 =	rddreg [dreg:$0x9]  }
0x13d: {  	s31 =	rddreg [dreg:$0x8];
	s1 =	sadd.s32 $0x1, s1  }
0x13e: {  	p0 =	sne.s32 s1, s31  }
.Ltmp2:
0x13f: {  	_ = 	snop;
	(pc) =	sbr.rel @p0 .LBB2_1-.Ltmp2, $4  }
0x140: {  	_ = 	snop  }
0x141: {  	[sflag:s0] =	ssyncset.done $0x0  }
0x142: {  	[sflag:s0] =	ssyncadd.s32 $0xFFFFE000  }
0x143: {  	_ =	strace $0x90000050  }
0x144: {  	_ =	sfence.sel $0x180000  }
0x145: {  	[bflag:$0x0] =	sbarrier.arrive $0xFFFF  }
0x146: {  	_ =	strace $0x90000047  }
0x147: {  	s0 =	stileid.u32;
	[bflag:$0x2] =	sbarrier.arrive $0xFFFF  }
0x148: {  	p0 =	sne.s32 s0, $0x0;
	s0 =	rddreg [dreg:$0x2]  }
0x149: {  	s0 =	sadd.s32 @!p0 $0x100000, s0  }
0x14a: {  	[sflag:s0] =	ssyncadd.tile.s32 @!p0 $0x1;
	_ =	shalt  }
.Lfunc_end2:
_tile_overlayer_lowered:
.L_overlay_start_2:
0x14b: {  	(tag) =	ssettag $0x2  }
0x14c: {  	s0 =	rddreg [dreg:$0x0];
	s2 =	stileid.u32  }
0x14d: {  	s1 =	rddreg [dreg:$0x1];
	p0 =	sne.s32 s2, $0x0  }
0x14e: {  	s3 =	rddreg [dreg:$0x2];
	[bflag:$0x3] =	sbarrier.arrive $0xFFFF;
	s2 =	simm.s32 @!p0 $0x1C01  }
0x14f: {  	[timem:s3], [sflag:s2] =	dma.local @!p0 [hbm:s0], s1  }
0x150: {  	s0 =	simm.s32 @!p0 $0x1  }
0x151: {  	_ =	swait.ge @!p0 [sflag:s0], s1  }
0x152: {  	s1 =	ssub.s32 @!p0 $0x0, s1;
	[sflag:s0] =	ssyncset.done @!p0 $0x0  }
0x153: {  	[sflag:s0] =	ssyncadd.s32 @!p0 s1  }
0x154: {  	[bflag:$0x3] =	sbarrier.arrive $0xFFFF  }
0x155: {  	_ =	shalt  }

// kernel: sparse-core-data-format-call.cloned.1.call-start
scs
called_computation_lowered:
.L_overlay_start_0:
0x0: {  	s2 =	sld [smem:$0x3FD9]  }
0x1: {  	s3 =	sld [smem:$0x3FFE];
	_ =	sdelay $0x1  }
0x2: {  	s1 =	srdreg.scid  }
0x3: {  	s0 =	sand.u32 $0x1, s1  }
0x4: {  	s15 =	sshll.u32 s0, $0xA;
	s2 =	sadd.s32 s3, s2  }
0x5: {  	s2 =	sadd.s32 s2, s15  }
0x6: {  	[smem:$0x3FC6] =	sst s2  }
0x7: {  	_ = 	snop  }
0x8: {  	s2 =	sld [smem:$0x3FD0];
	_ =	sdelay $0x2  }
0x9: {  	s16 =	simm.s32 $0xA;
	s4 =	simm.s32 $0x10  }
0xa: {  	[smem:s4], [sflag:s16] =	dma.local [hbm:s2], $0x1  }
0xb: {  	_ =	swait.eq [sflag:s16], $0x1  }
0xc: {  	[sflag:s16] =	ssyncset.done $0x0  }
0xd: {  	[sflag:s16] =	ssyncadd.s32 $0xFFFFFFFF  }
0xe: {  	s17 =	sld [smem:$0x10];
	(tm) =	ssettm $0x1  }
0xf: {  	s18 =	sld [smem:$0x3FFB];
	_ =	sdelay $0x3  }
0x10: {  	_ =	strace s18  }
0x11: {  	s3 =	sld [smem:$0x3FFC];
	_ =	sdelay $0x3  }
0x12: {  	_ =	strace s3  }
0x13: {  	s3 =	sld [smem:$0x3FFD];
	_ =	sdelay $0x3  }
0x14: {  	_ =	strace s3  }
0x15: {  	_ =	strace $0x8FFFFFFF  }
0x16: {  	s19 =	sld [smem:$0x3FDB];
	_ =	sdelay $0x1  }
0x17: {  	s20 =	simm.s32 $_scs_section_size  }
0x18: {  	s5 =	simm.s32 $_size__tile_overlayer_lowered;
	s6 =	simm.s32 $_tile_overlayer_lowered  }
0x19: {  	s23 =	simm.s32 $0x1BFF;
	s22 =	sshll.u32 s6, $0x1;
	s3 =	sadd.s32 s20, s19  }
0x1a: {  	s7 =	simm.s32 $0x0;
	s21 =	sshll.u32 s5, $0x1;
	s5 =	sadd.s32 s22, s3  }
0x1b: {  	[timem:s7], [sflag:s23] =	dma.local [hbm:s5], s21  }
0x1c: {  	_ =	swait.ge [sflag:s23], s21  }
0x1d: {  	s4 =	ssub.s32 $0x0, s21;
	[sflag:s23] =	ssyncset.done $0x0  }
0x1e: {  	[sflag:s23] =	ssyncadd.s32 s4;
	_ =	sdelay $0x1  }
0x1f: {  	s24 =	simm.s32 $0x1B8B  }
0x20: {  	_ =	swait.ge [sflag:s24], $0x1  }
0x21: {  	[sflag:s24] =	ssyncset.done $0x0  }
0x22: {  	s26 =	simm.s32 $0x1B8E;
	s25 =	sld [smem:$0x3FFE];
	[sflag:s24] =	ssyncadd.s32 $0xFFFFFFFF  }
0x23: {  	s27 =	simm.s32 $execute0_lowered;
	[smem:$0x3FD2] =	sst s26  }
0x24: {  	s5 =	sshll.u32 s27, $0x1;
	_ =	strace $0x80000052;
	[dreg:$0x1] =	wrdreg $0xFFFFFFFF  }
0x25: {  	s28 =	simm.s32 $_size_execute0_lowered;
	s3 =	sadd.s32 s3, s5;
	[dreg:$0x0] =	wrdreg $0x0  }
0x26: {  	s5 =	sshll.u32 s28, $0x1;
	[dreg:$0x2] =	wrdreg s3  }
0x27: {  	[dreg:$0x3] =	wrdreg s5  }
0x28: {  	[dreg:$0x4] =	wrdreg $0xC0  }
0x29: {  	_ =	task [dreg:s7], $0x5FFFF  }
0x2a: {  	[dreg:$0x1] =	wrdreg $0xFFFFFFFF  }
0x2b: {  	[dreg:$0x0] =	wrdreg $0x60  }
0x2c: {  	[dreg:$0x2] =	wrdreg s25  }
0x2d: {  	[dreg:$0x3] =	wrdreg s17  }
0x2e: {  	[dreg:$0x4] =	wrdreg $0x9  }
0x2f: {  	_ =	task.clear_ibuf [dreg:s7], $0x5FFFF;
	_ =	strace $0x90000052  }
0x30: {  	s29 =	simm.s32 $0x9;
	_ =	strace $0x80000054  }
0x31: {  	_ =	swait.ge [sflag:s29], $0x1  }
0x32: {  	[sflag:s29] =	ssyncadd.s32 $0xFFFFFFFF  }
0x33: {  	_ =	strace $0x90000054  }
0x34: {  	_ =	sfence  }
0x35: {  	s30 =	sld [smem:$0x0];
	_ =	sdelay $0x2  }
0x36: {  	s31 =	sshll.u32 s1, $0xD;
	s1 =	sshrl.u32 s1, $0x2  }
0x37: {  	s3 =	sand.u32 $0x4000, s31;
	s1 =	sadd.s32 s1, s30  }
0x38: {  	s0 =	sor.u32 s3, s0;
	s1 =	sshll.u32 s1, $0x11  }
0x39: {  	s0 =	sor.u32 s1, s0  }
0x3a: {  	s0 =	sadd.s32 $0x8F2B, s0  }
0x3b: {  	[sflag:s0] =	ssyncadd.remote.s32 $0x1  }
0x3c: {  	_ =	sfence.sel $0xFFFF  }
0x3d: {  	[dreg:$0x0] =	wrdreg $0xFFFFFFFF;
	(pc) =	sbr.abs _section_cstart, $3  }
0x3e: {  	[dreg:$0x1] =	wrdreg $0xFFFFFFFF  }
0x3f: {  	_ =	task.clear_ibuf [dreg:s7], $0x2FFFF;
	_ =	strace $0x9FFFFFFF  }
0x40: {  	(tm) =	ssettm $0x7FFFFFFF  }
0x41: {  	_ =	shalt  }
tec
execute0_lowered:
.L_overlay_start_1:
0x0: {  	(tag) =	ssettag $0x1  }
0x1: {  	s1 =	rddreg [dreg:$0x0]  }
0x2: {  	s2 =	rddreg [dreg:$0x1]  }
0x3: {  	s0 =	rddreg [dreg:$0x2];
	_ =	strace $0x80000053;
	s4 =	srdreg.scid  }
0x4: {  	s6 =	simm.s32 $0x2;
	s12 =	simm.s32 $0x0;
	p0 =	por $0x0, $0x0  }
0x5: {  	s15 =	simm.s32 $0x0;
	s13 =	simm.s32 $0x0;
	s14 =	simm.s32 $0x0  }
.Ltmp0:
0x6: {  	s8 =	simm.s32 $0x0;
	s9 =	simm.s32 $0x0;
	(pc) =	sbr.rel .LBB1_1-.Ltmp0, $4  }
0x7: {  	s10 =	simm.s32 $0x0;
	s3 =	sadd.s32 $0x41200, s1;
	s5 =	sshll.u32 s4, $0x4  }
0x8: {  	s1 =	stileid.u32;
	s4 =	simm.s32 $0x1;
	s5 =	sand.u32 $0x10, s5  }
0x9: {  	s7 =	simm.s32 $0x0;
	[sflag:s4] =	ssyncpa.u1 $0x0;
	s5 =	sor.u32 s1, s5  }
0xa: {  	[sflag:s6] =	ssyncpa.u1 $0x0;
	s6 =	simm.s32 $0x40000;
	s11 =	smov.u32 s5  }
.LBB1_5:
0xb: {  	s16 =	sadd.s32 $0x80, s8  }
0xc: {  	s12 =	simm.s32 $0x1;
	p2 =	sgt.s32 s16, $0xFF  }
0xd: {  	s12 =	simm.s32 @!p2 $0x0  }
0xe: {  	s17 =	sadd.s32 s12, s9  }
0xf: {  	s18 =	smov.u32 s10;
	s12 =	sadd.s32 $0x80, s10;
	p3 =	sgt.s32 s17, $0x3F  }
0x10: {  	s18 =	smov.u32 @p3 s12  }
0x11: {  	s19 =	smov.u32 s11;
	s12 =	sadd.s32 $0x20, s11;
	p4 =	sgt.s32 s18, $0x7F  }
0x12: {  	p1 =	slt.u32 s7, $0x2;
	s19 =	smov.u32 @p4 s12  }
0x13: {  	s7 =	sadd.s32 $0x1, s7;
	s16 =	simm.s32 @p2 $0x0;
	p2 =	sgt.s32 s19, $0x1F  }
0x14: {  	s20 =	simm.s32 @!p1 $0x2;
	s19 =	smov.u32 @p2 s5;
	p2 =	sne.s32 s7, $0x82  }
.Ltmp1:
0x15: {  	s15 =	smov.u32 s9;
	_ =	swait.ge @!p1 [sflag:s20], $0x4000;
	(pc) =	sbr.rel @!p2 .LBB1_6-.Ltmp1, $4  }
0x16: {  	s13 =	smov.u32 s10;
	s14 =	smov.u32 s11;
	[sflag:s20] =	ssyncset.done @!p1 $0x0  }
0x17: {  	p0 =	por !p0, !p0;
	[sflag:s20] =	ssyncadd.s32 @!p1 $0xFFFFC000;
	s17 =	simm.s32 @p3 $0x0  }
0x18: {  	s9 =	smov.u32 s17;
	s18 =	simm.s32 @p4 $0x0;
	s12 =	smov.u32 s8  }
0x19: {  	s8 =	smov.u32 s16;
	s10 =	smov.u32 s18;
	s11 =	smov.u32 s19  }
.LBB1_1:
0x1a: {  	p1 =	sgt.u32 s7, $0x7F  }
0x1b: {  	s16 =	sxor.u32 @!p1 $0xFFFFFFFF, s7;
	s17 =	sand.u32 @!p1 $0x78, s8;
	s18 =	sshll.u32 @!p1 s9, $0x8  }
0x1c: {  	s19 =	sshll.u32 @!p1 s8, $0x3;
	s20 =	sshll.u32 @!p1 s9, $0x7;
	s16 =	sshll.u32 @!p1 s16, $0xE  }
0x1d: {  	s18 =	sand.u32 @!p1 $0x3800, s18;
	s19 =	sand.u32 @!p1 $0x3C00, s19;
	s16 =	sand.u32 @!p1 $0x4000, s16  }
0x1e: {  	s18 =	sadd.s32 @!p1 s18, s19;
	s19 =	sand.u32 @!p1 $0x300, s20;
	s20 =	sand.u32 @!p1 $0x80, s20  }
0x1f: {  	s18 =	sor.u32 @!p1 s19, s18;
	s17 =	sor.u32 @!p1 s17, s20;
	s19 =	sshll.u32 @!p1 s11, $0x12  }
0x20: {  	s20 =	sshll.u32 @!p1 s10, $0xB;
	s18 =	sshrl.u32 @!p1 s18, $0x3;
	s19 =	sadd.s32 @!p1 s3, s19  }
0x21: {  	s17 =	sshrl.u32 @!p1 s17, $0x3;
	s19 =	sadd.s32 @!p1 s20, s19;
	s20 =	sand.u32 @!p1 $0x7, s8  }
0x22: {  	s18 =	sand.u32 @!p1 $0x7E0, s18;
	s17 =	sadd.s32 @!p1 s17, s19;
	s19 =	sshll.u32 @!p1 s20, $0x12  }
0x23: {  	s17 =	sadd.s32 @!p1 s18, s17;
	s18 =	sor.u32 @!p1 $0x80, s19;
	s19 =	simm.s32 @!p1 $0x4000  }
0x24: {  	[tilespmem:s16], [sflag:$0x1] =	stream.strided.gather @!p1 [hbm4b:s17+s18], $0x4000, s19, s18, $0x38;
	[tilespmem:$0x10100] =	vst v63  }
0x25: {  	p1 =	seq.s32 s7, $0x0  }
0x26: {  	p2 =	seq.s32 @!p1 s7, $0x81  }
0x27: {  	p1 =	por p1, p2  }
.Ltmp2:
0x28: {  	_ = 	snop;
	(pc) =	sbr.rel @p1 .LBB1_5-.Ltmp2, $1  }
0x29: {  	_ =	sdelay $0x3  }
0x2a: {  	s16 =	simm.s32 $0x1  }
0x2b: {  	_ =	swait.ge [sflag:s4], $0x4000;
	s16 =	simm.s32 @!p0 $0x0  }
0x2c: {  	[sflag:s4] =	ssyncset.done $0x0;
	s17 =	sshll.u32 s16, $0xE  }
0x2d: {  	[sflag:s4] =	ssyncadd.s32 $0xFFFFC000;
	s18 =	sor.u32 $0x40, s17  }
0x2e: {  	s16 =	smul.u32 $0x10200, s16;
	v0 =	vld [tilespmem:s18+$0x30]  }
0x2f: {  	v3 =	vld [tilespmem:s18+$0xFFFFFFD0]  }
0x30: {  	s16 =	sshrl.u32 s16, $0x2;
	v4 =	vld [tilespmem:s18+$0xFFFFFFE0]  }
0x31: {  	v5 =	vld [tilespmem:s18+$0xFFFFFFF0];
	s17 =	sor.u32 $0x8000, s16  }
0x32: {  	s31 =	sand.u32 $0x1, s7;
	v1 =	vld [tilespmem:s18+$0x0];
	s19 =	sadd.s32 $0x0, s17  }
0x33: {  	v2 =	vld [tilespmem:s18+$0x10];
	s16 =	smul.u32 $0x10200, s31;
	[tilespmem:s19+$0x3870 ss:$0x81] =	vst.msk $0xffff, v0  }
0x34: {  	[tilespmem:s19+$0x810 ss:$0x81] =	vst.msk $0xffff, v3;
	v3 =	vld [tilespmem:s18+$0x20]  }
0x35: {  	s16 =	sshrl.u32 s16, $0x2;
	v0 =	vld [tilespmem:s18+$0xFFFFFFC0];
	[tilespmem:s19+$0x1020 ss:$0x81] =	vst.msk $0xffff, v4;
	s18 =	sadd.s32 $0x80, s18  }
0x36: {  	s20 =	simm.s32 $0x4;
	s21 =	simm.s32 $0x8;
	s16 =	sor.u32 $0x8000, s16;
	[tilespmem:s19+$0x1830 ss:$0x81] =	vst.msk $0xffff, v5;
	v4 =	vld [tilespmem:s18+$0x30]  }
.LBB1_3:
0x37: {  	p1 =	sne.s32 s21, $0x1FC;
	v5 =	vld [tilespmem:s18+$0xFFFFFFD0];
	[tilespmem:s19+$0x2040 ss:$0x81] =	vst.msk $0xffff, v1  }
0x38: {  	v6 =	vld [tilespmem:s18+$0xFFFFFFE0];
	[tilespmem:s19+$0x2850 ss:$0x81] =	vst.msk $0xffff, v2  }
0x39: {  	s22 =	sshra.s32 s20, $0x2;
	s20 =	smov.u32 s21;
	v7 =	vld [tilespmem:s18+$0xFFFFFFF0];
	[tilespmem:s19+$0x3060 ss:$0x81] =	vst.msk $0xffff, v3  }
.Ltmp3:
0x3a: {  	v1 =	vld [tilespmem:s18+$0x0];
	[tilespmem:s19+$0x0 ss:$0x81] =	vst.msk $0xffff, v0;
	s19 =	sadd.s32 s22, s17;
	(pc) =	sbr.rel @p1 .LBB1_3-.Ltmp3, $4  }
0x3b: {  	v2 =	vld [tilespmem:s18+$0x10];
	[tilespmem:s19+$0x3870 ss:$0x81] =	vst.msk $0xffff, v4  }
0x3c: {  	[tilespmem:s19+$0x810 ss:$0x81] =	vst.msk $0xffff, v5;
	v3 =	vld [tilespmem:s18+$0x20]  }
0x3d: {  	v0 =	vld [tilespmem:s18+$0xFFFFFFC0];
	[tilespmem:s19+$0x1020 ss:$0x81] =	vst.msk $0xffff, v6;
	s18 =	sadd.s32 $0x80, s18  }
0x3e: {  	s21 =	sadd.s32 $0x4, s21;
	v4 =	vld [tilespmem:s18+$0x30];
	[tilespmem:s19+$0x1830 ss:$0x81] =	vst.msk $0xffff, v7  }
0x3f: {  	v5 =	vld [tilespmem:s18+$0xFFFFFFD0];
	[tilespmem:s19+$0x2040 ss:$0x81] =	vst.msk $0xffff, v1  }
0x40: {  	v58 =	vld [tilespmem:s18+$0xFFFFFFE0];
	[tilespmem:s19+$0x2850 ss:$0x81] =	vst.msk $0xffff, v2  }
0x41: {  	s20 =	sshra.s32 s20, $0x2;
	v59 =	vld [tilespmem:s18+$0xFFFFFFF0];
	[tilespmem:s19+$0x3060 ss:$0x81] =	vst.msk $0xffff, v3  }
0x42: {  	v60 =	vld [tilespmem:s18+$0x0];
	s17 =	sadd.s32 s20, s17;
	[tilespmem:s19+$0x0 ss:$0x81] =	vst.msk $0xffff, v0  }
0x43: {  	v61 =	vld [tilespmem:s18+$0x10];
	s15 =	sshll.u32 s15, $0x7;
	[tilespmem:s17+$0x3870 ss:$0x81] =	vst.msk $0xffff, v4  }
0x44: {  	s27 =	sshll.u32 s13, $0x3;
	v62 =	vld [tilespmem:s18+$0x20];
	s14 =	sshll.u32 s14, $0xA;
	s30 =	sshrl.u32 s13, $0x3;
	[tilespmem:s17+$0x810 ss:$0x81] =	vst.msk $0xffff, v5  }
0x45: {  	v63 =	vld [tilespmem:s18+$0xFFFFFFC0];
	s12 =	sshll.u32 s12, $0xF;
	s28 =	sand.u32 $0x1C00, s15;
	s19 =	sand.u32 $0x1C00, s27;
	[tilespmem:s17+$0x1020 ss:$0x81] =	vst.msk $0xffff, v58  }
0x46: {  	s15 =	sand.u32 $0x380, s15;
	s18 =	sand.u32 $0xF, s30;
	s29 =	sadd.s32 s19, s28;
	[tilespmem:s17+$0x1830 ss:$0x81] =	vst.msk $0xffff, v59  }
.Ltmp4:
0x47: {  	s14 =	sadd.s32 s2, s14;
	s15 =	sor.u32 s15, s29;
	[tilespmem:s17+$0x2040 ss:$0x81] =	vst.msk $0xffff, v60;
	(pc) =	sbr.rel .LBB1_5-.Ltmp4, $4  }
0x48: {  	s31 =	sand.u32 $0x7, s13;
	s14 =	sadd.s32 s18, s14;
	[tilespmem:s17+$0x2850 ss:$0x81] =	vst.msk $0xffff, v61;
	s15 =	sshrl.u32 s15, $0x3  }
0x49: {  	s13 =	sshll.u32 s31, $0x12;
	s12 =	sadd.s32 s12, s14;
	[tilespmem:s17+$0x3060 ss:$0x81] =	vst.msk $0xffff, v62;
	s15 =	sand.u32 $0x3F0, s15  }
0x4a: {  	s13 =	sor.u32 $0x80, s13;
	[tilespmem:s17+$0x0 ss:$0x81] =	vst.msk $0xffff, v63;
	s12 =	sadd.s32 s15, s12  }
0x4b: {  	[hbm4b:s12+s13] =	stream.strided.scatter [tilespmem:s16], [sflag:$0x2], $0x4000, s6, s13, $0x20;
	[tilespmem:$0x10100] =	vst v63  }
.LBB1_6:
0x4c: {  	_ =	sfence.sel $0x180000  }
0x4d: {  	s2 =	simm.s32 $0x1;
	[bflag:$0x0] =	sbarrier.arrive $0xFFFF  }
0x4e: {  	s31 =	simm.s32 $0x2;
	[sflag:s2] =	ssyncpa.u1 $0x1  }
0x4f: {  	[sflag:s31] =	ssyncpa.u1 $0x1  }
0x50: {  	p0 =	sne.s32 s1, $0x0;
	_ =	strace $0x90000053  }
0x51: {  	s0 =	sadd.s32 @!p0 $0x100000, s0;
	[bflag:$0x2] =	sbarrier.arrive $0xFFFF  }
0x52: {  	[sflag:s0] =	ssyncadd.tile.s32 @!p0 $0x1;
	_ =	shalt  }
.Lfunc_end1:
_tile_overlayer_lowered:
.L_overlay_start_2:
0x53: {  	(tag) =	ssettag $0x2  }
0x54: {  	s0 =	rddreg [dreg:$0x0];
	s2 =	stileid.u32  }
0x55: {  	s1 =	rddreg [dreg:$0x1];
	p0 =	sne.s32 s2, $0x0  }
0x56: {  	s3 =	rddreg [dreg:$0x2];
	[bflag:$0x3] =	sbarrier.arrive $0xFFFF;
	s2 =	simm.s32 @!p0 $0x1C01  }
0x57: {  	[timem:s3], [sflag:s2] =	dma.local @!p0 [hbm:s0], s1  }
0x58: {  	s0 =	simm.s32 @!p0 $0x1  }
0x59: {  	_ =	swait.ge @!p0 [sflag:s0], s1  }
0x5a: {  	s1 =	ssub.s32 @!p0 $0x0, s1;
	[sflag:s0] =	ssyncset.done @!p0 $0x0  }
0x5b: {  	[sflag:s0] =	ssyncadd.s32 @!p0 s1  }
0x5c: {  	[bflag:$0x3] =	sbarrier.arrive $0xFFFF  }
0x5d: {  	_ =	shalt  }

</sc_bundles>
